<compile_context>
chip_gen: v7x
topology: tpu7x:2x2x1
jax: 0.10.2.dev20260603
libtpu: 0.0.44.dev20260713+nightly
codegen_flags: <defaults>
</compile_context>

<pallas_src>
import functools

import jax
import jax.numpy as jnp
from jax import lax
from jax.experimental import pallas as pl
from jax.experimental.pallas import tpu as pltpu
from jax.experimental.pallas import tpu_sc as plsc

_FS = 200.0
_L = 100
_N_PRE = 8
_P = 20
_B, _C, _T = 128, 22, 12000
_WIN = 1416
_XROW = _C * _WIN
_OC = 24
_OL = 128
_ROW = _OC * _OL
_OUT_W = _P * _ROW
_HALF = 10 * _ROW
_CHUNKS = (0, 16, 32, 48, 64, 80, 96)

_NC, _NS = 2, 16
_NW = _NC * _NS
_BPW = _B // _NW

_mesh = plsc.VectorSubcoreMesh(core_axis_name="c", subcore_axis_name="s")


@functools.partial(
    pl.kernel,
    mesh=_mesh,
    compiler_params=pltpu.CompilerParams(
        use_tc_tiling_on_sc=False, needs_layout_passes=False),
    out_type=(
        jax.ShapeDtypeStruct((_B * _OUT_W,), jnp.float32),
        jax.ShapeDtypeStruct((_B,), jnp.int32),
    ),
    scratch_types=[
        pltpu.VMEM((2 * _XROW,), jnp.float32),
        pltpu.VMEM((_OUT_W,), jnp.float32),
        pltpu.VMEM((16,), jnp.float32),
        pltpu.VMEM((16,), jnp.float32),
        pltpu.VMEM((16,), jnp.int32),
        pltpu.SemaphoreType.DMA,
        pltpu.SemaphoreType.DMA,
        pltpu.SemaphoreType.DMA,
    ],
)
def _sc_patch(x_hbm, on_hbm, ws_hbm, out_hbm, cnt_hbm,
              in_buf, out_buf, on_v, ws_v, cnt_v, sem_in, sem_oa, sem_ob):
    wid = lax.axis_index("s") * _NC + lax.axis_index("c")
    chunk = wid // 4
    lane0 = (wid % 4) * 4
    base = chunk * 16 + lane0

    def start_in(t):
        return pltpu.async_copy(
            x_hbm.at[pl.ds((base + t) * _XROW, _XROW)],
            in_buf.at[pl.ds((t % 2) * _XROW, _XROW)], sem_in)

    start_in(0)

    pltpu.sync_copy(on_hbm.at[pl.ds(chunk * 16, 16)], on_v)
    pltpu.sync_copy(ws_hbm.at[pl.ds(chunk * 16, 16)], ws_v)
    fs16 = jnp.full((16,), _FS, jnp.float32)
    onset16 = ((on_v[...] - ws_v[...]) * fs16).astype(jnp.int32)
    lanes = lax.iota(jnp.int32, 16)
    zero16 = jnp.zeros((16,), jnp.int32)

    cnt16 = zero16
    for p in range(_P):
        s16 = onset16 + jnp.full((16,), (p - _N_PRE) * _L, jnp.int32)
        hi16 = jnp.full((16,), _T - _L, jnp.int32)
        ok16 = jnp.where((s16 >= zero16) & (s16 <= hi16),
                         jnp.full((16,), 1, jnp.int32), zero16)
        cnt16 = cnt16 + ok16

    @pl.when(wid % 4 == 0)
    def _():
        cnt_v[...] = cnt16
        pltpu.sync_copy(cnt_v, cnt_hbm.at[pl.ds(chunk * 16, 16)])

    zf16 = jnp.zeros((16,), jnp.float32)
    n_zero_vecs = 7 * _ROW // 16

    @plsc.parallel_loop(0, n_zero_vecs, 1, unroll=4)
    def _(i):
        out_buf[pl.ds(i * 16, 16)] = zf16

    def copy_patch(p, tb, s):
        buf0 = tb * _XROW

        @plsc.parallel_loop(0, _C, 1, unroll=2)
        def _(c):
            src0 = buf0 + c * _WIN + s
            dst0 = (p * _OC + c) * _OL
            for off in _CHUNKS:
                out_buf[pl.ds(dst0 + off, 16)] = in_buf[pl.ds(src0 + off, 16)]

    def zero_patch(p):
        @plsc.parallel_loop(0, _C, 1, unroll=2)
        def _(c):
            dst0 = (p * _OC + c) * _OL
            for off in _CHUNKS:
                out_buf[pl.ds(dst0 + off, 16)] = zf16

    def wait_in():
        pltpu.make_async_copy(
            x_hbm.at[pl.ds(0, _XROW)],
            in_buf.at[pl.ds(0, _XROW)], sem_in).wait()

    def wait_out(sem):
        pltpu.make_async_copy(
            out_buf.at[pl.ds(0, _HALF)],
            out_hbm.at[pl.ds(0, _HALF)], sem).wait()

    def do_batch(t, carry):
        wait_in()

        @pl.when(t + 1 < _BPW)
        def _():
            start_in(t + 1)

        tgt = lax.broadcast(lane0 + t, (16,))
        onset = jnp.sum(jnp.where(lanes == tgt, onset16, zero16))
        tb = t % 2

        @pl.when(t > 0)
        def _():
            wait_out(sem_oa)

        def patch_a(p, inner):
            s = onset + (p - _N_PRE) * _L
            okb = s >= 0

            @pl.when(okb)
            def _():
                copy_patch(p, tb, s)

            @pl.when(jnp.logical_not(okb))
            def _():
                zero_patch(p)
            return inner

        lax.fori_loop(7, 10, patch_a, 0)
        pltpu.async_copy(
            out_buf.at[pl.ds(0, _HALF)],
            out_hbm.at[pl.ds((base + t) * _OUT_W, _HALF)], sem_oa)

        @pl.when(t > 0)
        def _():
            wait_out(sem_ob)

        def patch_b(p, inner):
            copy_patch(p, tb, onset + (p - _N_PRE) * _L)
            return inner

        lax.fori_loop(10, _P, patch_b, 0)
        pltpu.async_copy(
            out_buf.at[pl.ds(_HALF, _HALF)],
            out_hbm.at[pl.ds((base + t) * _OUT_W + _HALF, _HALF)],
            sem_ob)
        return carry

    lax.fori_loop(0, _BPW, do_batch, 0)
    wait_out(sem_oa)
    wait_out(sem_ob)


def kernel(x, seizure_onset_sec, window_start_sec):
    x_win = lax.slice(x, (0, 0, 0), (_B, _C, _WIN)).reshape(-1)
    patches_flat, counts = _sc_patch(x_win, seizure_onset_sec,
                                     window_start_sec)
    patches = patches_flat.reshape(_B, _P, _OC, _OL)[:, :, :_C, :_L]
    offsets = jnp.arange(-_N_PRE, _P - _N_PRE, dtype=jnp.int32) * _L
    rel_time = jnp.broadcast_to(
        (offsets.astype(jnp.float32) / _FS)[None, :], (_B, _P))
    return patches, counts, rel_time

# --- scband reference (transcript-rebuilt; emitter-appended) ---
"""Pipeline reference for scband-seizure-aligned-adaptive-patching-69191923138625 (READ-ONLY COPY).

The authoritative reference and input builder live on the scoring server;
editing this copy changes nothing except your own understanding.
"""

import jax, jax.numpy as jnp
import numpy as np

FS = 200.0
PATCH_LEN = 100
N_PRE = 8
N_POST = 12
MAX_P = N_PRE + N_POST


def setup_inputs(seed: int = 0) -> dict:
    key = jax.random.key(seed)
    k1, k2, k3 = jax.random.split(key, 3)
    x = jax.random.normal(k1, (128, 22, 12000), dtype=jnp.float32)
    seizure_onset_sec = jax.random.uniform(k2, (128,), dtype=jnp.float32)
    window_start_sec = jax.random.uniform(k3, (128,), dtype=jnp.float32)
    return {"x": x, "seizure_onset_sec": seizure_onset_sec, "window_start_sec": window_start_sec}


def reference(x, seizure_onset_sec, window_start_sec):
    B, C, T = x.shape
    P = MAX_P
    L = PATCH_LEN
    offsets = jnp.arange(-N_PRE, N_POST, dtype=jnp.int32) * L
    rel_time = offsets.astype(jnp.float32) / FS
    # torch .long() truncates toward zero; astype(int32) matches that behavior
    onset_sample = ((seizure_onset_sec - window_start_sec) * FS).astype(jnp.int32)
    starts = onset_sample[:, None] + offsets[None, :]  # [B, P]
    valid = (starts >= 0) & (starts + L <= T)
    clamp_max = max(T - L, 0)
    starts_safe = jnp.clip(starts, 0, clamp_max)
    sample_offsets = jnp.arange(L, dtype=jnp.int32)
    patch_indices = starts_safe[:, :, None] + sample_offsets[None, None, :]  # [B, P, L]
    idx = jnp.broadcast_to(patch_indices[:, None, :, :], (B, C, P, L)).reshape(B, C, P * L)
    gathered = jnp.take_along_axis(x, idx, axis=2)  # [B, C, P*L]
    patches = gathered.reshape(B, C, P, L).transpose(0, 2, 1, 3)  # [B, P, C, L]
    mask_4d = valid[:, :, None, None].astype(jnp.float32)
    patches = patches * mask_4d
    valid_patch_counts = valid.astype(jnp.int32).sum(axis=1)
    seizure_relative_time = jnp.broadcast_to(rel_time[None, :], (B, P))
    return (patches, valid_patch_counts, seizure_relative_time)

if __name__ == "__main__":
    import jax
    _d = setup_inputs()
    print(jax.jit(kernel)(*tuple(_d.values())))

</pallas_src>

<mosaic_0001>
#map = affine_map<(d0, d1) -> (0)>
module attributes {stable_mosaic.version = 14 : i64} {
  func.func @_sc_patch(%arg0: i32, %arg1: i32, %arg2: memref<3987456xf32, #tpu.memory_space<hbm>>, %arg3: memref<128xf32, #tpu.memory_space<hbm>>, %arg4: memref<128xf32, #tpu.memory_space<hbm>>, %arg5: memref<7864320xf32, #tpu.memory_space<hbm>>, %arg6: memref<128xi32, #tpu.memory_space<hbm>>, %arg7: memref<62304xf32, #tpu.memory_space<vmem>>, %arg8: memref<61440xf32, #tpu.memory_space<vmem>>, %arg9: memref<16xf32, #tpu.memory_space<vmem>>, %arg10: memref<16xf32, #tpu.memory_space<vmem>>, %arg11: memref<16xi32, #tpu.memory_space<vmem>>, %arg12: memref<!tpu.dma_semaphore, #tpu.memory_space<semaphore_mem>>, %arg13: memref<!tpu.dma_semaphore, #tpu.memory_space<semaphore_mem>>, %arg14: memref<!tpu.dma_semaphore, #tpu.memory_space<semaphore_mem>>) attributes {dimension_semantics = [#tpu.dimension_semantics<core_parallel>, #tpu.dimension_semantics<subcore_parallel>], iteration_bounds = array<i64: 2, 16>, scalar_prefetch = 0 : i64, scratch_operands = 8 : i64, tpu.core_type = #tpu.core_type<sc_vector_subcore>, window_params = [{transform_indices = #map}, {transform_indices = #map}, {transform_indices = #map}, {transform_indices = #map}, {transform_indices = #map}]} {
    %mul3A = arith.constant 2 : i32
    %mul3A_0 = arith.muli %arg1, %mul3A : i32
    %add3A = arith.addi %mul3A_0, %arg0 : i32
    %jit3A = arith.constant 4 : i32
    %div3A = arith.divsi %add3A, %jit3A : i32
    %sign3A = arith.constant 0 : i32
    %sign3A_1 = arith.cmpi sgt, %add3A, %sign3A : i32
    %sign3A_2 = arith.extui %sign3A_1 : i1 to i32
    %sign3A_3 = arith.constant 0 : i32
    %sign3A_4 = arith.cmpi slt, %add3A, %sign3A_3 : i32
    %sign3A_5 = arith.extui %sign3A_4 : i1 to i32
    %sign3A_6 = arith.subi %sign3A_2, %sign3A_5 : i32
    %sign3A_7 = arith.constant 0 : i32
    %sign3A_8 = arith.cmpi sgt, %jit3A, %sign3A_7 : i32
    %sign3A_9 = arith.extui %sign3A_8 : i1 to i32
    %sign3A_10 = arith.constant 0 : i32
    %sign3A_11 = arith.cmpi slt, %jit3A, %sign3A_10 : i32
    %sign3A_12 = arith.extui %sign3A_11 : i1 to i32
    %sign3A_13 = arith.subi %sign3A_9, %sign3A_12 : i32
    %ne3A = arith.cmpi ne, %sign3A_6, %sign3A_13 : i32
    %rem3A = arith.remsi %add3A, %jit3A : i32
    %ne3A_14 = arith.constant 0 : i32
    %ne3A_15 = arith.cmpi ne, %rem3A, %ne3A_14 : i32
    %and3A = arith.andi %ne3A, %ne3A_15 : i1
    %sub3A = arith.constant 1 : i32
    %sub3A_16 = arith.subi %div3A, %sub3A : i32
    %select_n3A = arith.select %and3A, %sub3A_16, %div3A : i32
    %jit3A_17 = arith.constant 4 : i32
    %eq3A = arith.constant 0 : i32
    %eq3A_18 = arith.cmpi eq, %jit3A_17, %eq3A : i32
    %jit3A_19 = arith.constant 1 : i32
    %select_n3A_20 = arith.select %eq3A_18, %jit3A_19, %jit3A_17 : i32
    %rem3A_21 = arith.remsi %add3A, %select_n3A_20 : i32
    %ne3A_22 = arith.constant 0 : i32
    %ne3A_23 = arith.cmpi ne, %rem3A_21, %ne3A_22 : i32
    %lt3A = arith.constant 0 : i32
    %lt3A_24 = arith.cmpi slt, %rem3A_21, %lt3A : i32
    %lt3A_25 = arith.constant 0 : i32
    %lt3A_26 = arith.cmpi slt, %select_n3A_20, %lt3A_25 : i32
    %ne3A_27 = arith.xori %lt3A_24, %lt3A_26 : i1
    %and3A_28 = arith.andi %ne3A_27, %ne3A_23 : i1
    %add3A_29 = arith.addi %rem3A_21, %select_n3A_20 : i32
    %select_n3A_30 = arith.select %and3A_28, %add3A_29, %rem3A_21 : i32
    %mul3A_31 = arith.constant 4 : i32
    %mul3A_32 = arith.muli %select_n3A_30, %mul3A_31 : i32
    %mul3A_33 = arith.constant 16 : i32
    %mul3A_34 = arith.muli %select_n3A, %mul3A_33 : i32
    %add3A_35 = arith.addi %mul3A_34, %mul3A_32 : i32
    %add3A_36 = arith.constant 0 : i32
    %add3A_37 = arith.addi %add3A_35, %add3A_36 : i32
    %mul3A_38 = arith.constant 31152 : i32
    %mul3A_39 = arith.muli %add3A_37, %mul3A_38 : i32
    %dma_start3A = arith.constant 0 : i32
    %dma_start3A_40 = tpu.memref_slice %arg7[%dma_start3A] : memref<62304xf32, #tpu.memory_space<vmem>> -> memref<31152xf32, #tpu.memory_space<vmem>>
    %dma_start3A_41 = tpu.memref_slice %arg2[%mul3A_39] : memref<3987456xf32, #tpu.memory_space<hbm>> -> memref<31152xf32, #tpu.memory_space<hbm>>
    %dma_start3A_42 = arith.constant 0 : i32
    %dma_start3A_43 = tpu.memref_slice %arg7[%dma_start3A_42] : memref<62304xf32, #tpu.memory_space<vmem>> -> memref<31152xf32, #tpu.memory_space<vmem>>
    %dma_start3A_44 = tpu.memref_slice %arg2[%mul3A_39] : memref<3987456xf32, #tpu.memory_space<hbm>> -> memref<31152xf32, #tpu.memory_space<hbm>>
    tpu.enqueue_dma source(%dma_start3A_44 : memref<31152xf32, #tpu.memory_space<hbm>>) target(%dma_start3A_43 : memref<31152xf32, #tpu.memory_space<vmem>>) target_semaphore(%arg12 : memref<!tpu.dma_semaphore, #tpu.memory_space<semaphore_mem>>)
    %mul3A_45 = arith.constant 16 : i32
    %mul3A_46 = arith.muli %select_n3A, %mul3A_45 : i32
    "tpu.region"() ({
      %run_scoped3A = tpu.sem_alloc : memref<!tpu.dma_semaphore, #tpu.memory_space<semaphore_mem>>
      %dma_start3A_339 = tpu.memref_slice %arg3[%mul3A_46] : memref<128xf32, #tpu.memory_space<hbm>> -> memref<16xf32, #tpu.memory_space<hbm>>
      %dma_start3A_340 = tpu.memref_slice %arg3[%mul3A_46] : memref<128xf32, #tpu.memory_space<hbm>> -> memref<16xf32, #tpu.memory_space<hbm>>
      tpu.enqueue_dma source(%dma_start3A_340 : memref<16xf32, #tpu.memory_space<hbm>>) target(%arg9 : memref<16xf32, #tpu.memory_space<vmem>>) target_semaphore(%run_scoped3A : memref<!tpu.dma_semaphore, #tpu.memory_space<semaphore_mem>>)
      %dma_wait3A_341 = tpu.memref_slice %arg3[%mul3A_46] : memref<128xf32, #tpu.memory_space<hbm>> -> memref<16xf32, #tpu.memory_space<hbm>>
      %dma_wait3A_342 = tpu.memref_slice %arg3[%mul3A_46] : memref<128xf32, #tpu.memory_space<hbm>> -> memref<16xf32, #tpu.memory_space<hbm>>
      tpu.wait_dma2 semaphore(%run_scoped3A : memref<!tpu.dma_semaphore, #tpu.memory_space<semaphore_mem>>) src(%dma_wait3A_342 : memref<16xf32, #tpu.memory_space<hbm>>) dst(%arg9 : memref<16xf32, #tpu.memory_space<vmem>>)
      tpu.yield
    }) : () -> ()
    %mul3A_47 = arith.constant 16 : i32
    %mul3A_48 = arith.muli %select_n3A, %mul3A_47 : i32
    "tpu.region"() ({
      %run_scoped3A = tpu.sem_alloc : memref<!tpu.dma_semaphore, #tpu.memory_space<semaphore_mem>>
      %dma_start3A_339 = tpu.memref_slice %arg4[%mul3A_48] : memref<128xf32, #tpu.memory_space<hbm>> -> memref<16xf32, #tpu.memory_space<hbm>>
      %dma_start3A_340 = tpu.memref_slice %arg4[%mul3A_48] : memref<128xf32, #tpu.memory_space<hbm>> -> memref<16xf32, #tpu.memory_space<hbm>>
      tpu.enqueue_dma source(%dma_start3A_340 : memref<16xf32, #tpu.memory_space<hbm>>) target(%arg10 : memref<16xf32, #tpu.memory_space<vmem>>) target_semaphore(%run_scoped3A : memref<!tpu.dma_semaphore, #tpu.memory_space<semaphore_mem>>)
      %dma_wait3A_341 = tpu.memref_slice %arg4[%mul3A_48] : memref<128xf32, #tpu.memory_space<hbm>> -> memref<16xf32, #tpu.memory_space<hbm>>
      %dma_wait3A_342 = tpu.memref_slice %arg4[%mul3A_48] : memref<128xf32, #tpu.memory_space<hbm>> -> memref<16xf32, #tpu.memory_space<hbm>>
      tpu.wait_dma2 semaphore(%run_scoped3A : memref<!tpu.dma_semaphore, #tpu.memory_space<semaphore_mem>>) src(%dma_wait3A_342 : memref<16xf32, #tpu.memory_space<hbm>>) dst(%arg10 : memref<16xf32, #tpu.memory_space<vmem>>)
      tpu.yield
    }) : () -> ()
    %broadcast_in_dim3A = arith.constant 2.000000e+02 : f32
    %broadcast_in_dim3A_49 = vector.broadcast %broadcast_in_dim3A : f32 to vector<16xf32>
    %get3A = arith.constant 0 : index
    %get3A_50 = tpu.vector_load %arg9[%get3A] {strides = array<i32>} : memref<16xf32, #tpu.memory_space<vmem>>, vector<16xf32>,
    %get3A_51 = arith.constant 0 : index
    %get3A_52 = tpu.vector_load %arg10[%get3A_51] {strides = array<i32>} : memref<16xf32, #tpu.memory_space<vmem>>, vector<16xf32>,
    %sub3A_53 = arith.subf %get3A_50, %get3A_52 : vector<16xf32>
    %mul3A_54 = arith.mulf %sub3A_53, %broadcast_in_dim3A_49 : vector<16xf32>
    %convert_element_type3A = arith.fptosi %mul3A_54 : vector<16xf32> to vector<16xi32>
    %iota3A = tpu.iota {dimensions = array<i32: 0>} : vector<16xi32>
    %broadcast_in_dim3A_55 = arith.constant 0 : i32
    %broadcast_in_dim3A_56 = vector.broadcast %broadcast_in_dim3A_55 : i32 to vector<16xi32>
    %broadcast_in_dim3A_57 = arith.constant -800 : i32
    %broadcast_in_dim3A_58 = vector.broadcast %broadcast_in_dim3A_57 : i32 to vector<16xi32>
    %add3A_59 = arith.addi %convert_element_type3A, %broadcast_in_dim3A_58 : vector<16xi32>
    %broadcast_in_dim3A_60 = arith.constant 11900 : i32
    %broadcast_in_dim3A_61 = vector.broadcast %broadcast_in_dim3A_60 : i32 to vector<16xi32>
    %ge3A = arith.cmpi sge, %add3A_59, %broadcast_in_dim3A_56 : vector<16xi32>
    %le3A = arith.cmpi sle, %add3A_59, %broadcast_in_dim3A_61 : vector<16xi32>
    %and3A_62 = arith.andi %ge3A, %le3A : vector<16xi1>
    %broadcast_in_dim3A_63 = arith.constant 1 : i32
    %broadcast_in_dim3A_64 = vector.broadcast %broadcast_in_dim3A_63 : i32 to vector<16xi32>
    %select_n3A_65 = arith.select %and3A_62, %broadcast_in_dim3A_64, %broadcast_in_dim3A_56 : vector<16xi1>, vector<16xi32>
    %add3A_66 = arith.addi %broadcast_in_dim3A_56, %select_n3A_65 : vector<16xi32>
    %broadcast_in_dim3A_67 = arith.constant -700 : i32
    %broadcast_in_dim3A_68 = vector.broadcast %broadcast_in_dim3A_67 : i32 to vector<16xi32>
    %add3A_69 = arith.addi %convert_element_type3A, %broadcast_in_dim3A_68 : vector<16xi32>
    %broadcast_in_dim3A_70 = arith.constant 11900 : i32
    %broadcast_in_dim3A_71 = vector.broadcast %broadcast_in_dim3A_70 : i32 to vector<16xi32>
    %ge3A_72 = arith.cmpi sge, %add3A_69, %broadcast_in_dim3A_56 : vector<16xi32>
    %le3A_73 = arith.cmpi sle, %add3A_69, %broadcast_in_dim3A_71 : vector<16xi32>
    %and3A_74 = arith.andi %ge3A_72, %le3A_73 : vector<16xi1>
    %broadcast_in_dim3A_75 = arith.constant 1 : i32
    %broadcast_in_dim3A_76 = vector.broadcast %broadcast_in_dim3A_75 : i32 to vector<16xi32>
    %select_n3A_77 = arith.select %and3A_74, %broadcast_in_dim3A_76, %broadcast_in_dim3A_56 : vector<16xi1>, vector<16xi32>
    %add3A_78 = arith.addi %add3A_66, %select_n3A_77 : vector<16xi32>
    %broadcast_in_dim3A_79 = arith.constant -600 : i32
    %broadcast_in_dim3A_80 = vector.broadcast %broadcast_in_dim3A_79 : i32 to vector<16xi32>
    %add3A_81 = arith.addi %convert_element_type3A, %broadcast_in_dim3A_80 : vector<16xi32>
    %broadcast_in_dim3A_82 = arith.constant 11900 : i32
    %broadcast_in_dim3A_83 = vector.broadcast %broadcast_in_dim3A_82 : i32 to vector<16xi32>
    %ge3A_84 = arith.cmpi sge, %add3A_81, %broadcast_in_dim3A_56 : vector<16xi32>
    %le3A_85 = arith.cmpi sle, %add3A_81, %broadcast_in_dim3A_83 : vector<16xi32>
    %and3A_86 = arith.andi %ge3A_84, %le3A_85 : vector<16xi1>
    %broadcast_in_dim3A_87 = arith.constant 1 : i32
    %broadcast_in_dim3A_88 = vector.broadcast %broadcast_in_dim3A_87 : i32 to vector<16xi32>
    %select_n3A_89 = arith.select %and3A_86, %broadcast_in_dim3A_88, %broadcast_in_dim3A_56 : vector<16xi1>, vector<16xi32>
    %add3A_90 = arith.addi %add3A_78, %select_n3A_89 : vector<16xi32>
    %broadcast_in_dim3A_91 = arith.constant -500 : i32
    %broadcast_in_dim3A_92 = vector.broadcast %broadcast_in_dim3A_91 : i32 to vector<16xi32>
    %add3A_93 = arith.addi %convert_element_type3A, %broadcast_in_dim3A_92 : vector<16xi32>
    %broadcast_in_dim3A_94 = arith.constant 11900 : i32
    %broadcast_in_dim3A_95 = vector.broadcast %broadcast_in_dim3A_94 : i32 to vector<16xi32>
    %ge3A_96 = arith.cmpi sge, %add3A_93, %broadcast_in_dim3A_56 : vector<16xi32>
    %le3A_97 = arith.cmpi sle, %add3A_93, %broadcast_in_dim3A_95 : vector<16xi32>
    %and3A_98 = arith.andi %ge3A_96, %le3A_97 : vector<16xi1>
    %broadcast_in_dim3A_99 = arith.constant 1 : i32
    %broadcast_in_dim3A_100 = vector.broadcast %broadcast_in_dim3A_99 : i32 to vector<16xi32>
    %select_n3A_101 = arith.select %and3A_98, %broadcast_in_dim3A_100, %broadcast_in_dim3A_56 : vector<16xi1>, vector<16xi32>
    %add3A_102 = arith.addi %add3A_90, %select_n3A_101 : vector<16xi32>
    %broadcast_in_dim3A_103 = arith.constant -400 : i32
    %broadcast_in_dim3A_104 = vector.broadcast %broadcast_in_dim3A_103 : i32 to vector<16xi32>
    %add3A_105 = arith.addi %convert_element_type3A, %broadcast_in_dim3A_104 : vector<16xi32>
    %broadcast_in_dim3A_106 = arith.constant 11900 : i32
    %broadcast_in_dim3A_107 = vector.broadcast %broadcast_in_dim3A_106 : i32 to vector<16xi32>
    %ge3A_108 = arith.cmpi sge, %add3A_105, %broadcast_in_dim3A_56 : vector<16xi32>
    %le3A_109 = arith.cmpi sle, %add3A_105, %broadcast_in_dim3A_107 : vector<16xi32>
    %and3A_110 = arith.andi %ge3A_108, %le3A_109 : vector<16xi1>
    %broadcast_in_dim3A_111 = arith.constant 1 : i32
    %broadcast_in_dim3A_112 = vector.broadcast %broadcast_in_dim3A_111 : i32 to vector<16xi32>
    %select_n3A_113 = arith.select %and3A_110, %broadcast_in_dim3A_112, %broadcast_in_dim3A_56 : vector<16xi1>, vector<16xi32>
    %add3A_114 = arith.addi %add3A_102, %select_n3A_113 : vector<16xi32>
    %broadcast_in_dim3A_115 = arith.constant -300 : i32
    %broadcast_in_dim3A_116 = vector.broadcast %broadcast_in_dim3A_115 : i32 to vector<16xi32>
    %add3A_117 = arith.addi %convert_element_type3A, %broadcast_in_dim3A_116 : vector<16xi32>
    %broadcast_in_dim3A_118 = arith.constant 11900 : i32
    %broadcast_in_dim3A_119 = vector.broadcast %broadcast_in_dim3A_118 : i32 to vector<16xi32>
    %ge3A_120 = arith.cmpi sge, %add3A_117, %broadcast_in_dim3A_56 : vector<16xi32>
    %le3A_121 = arith.cmpi sle, %add3A_117, %broadcast_in_dim3A_119 : vector<16xi32>
    %and3A_122 = arith.andi %ge3A_120, %le3A_121 : vector<16xi1>
    %broadcast_in_dim3A_123 = arith.constant 1 : i32
    %broadcast_in_dim3A_124 = vector.broadcast %broadcast_in_dim3A_123 : i32 to vector<16xi32>
    %select_n3A_125 = arith.select %and3A_122, %broadcast_in_dim3A_124, %broadcast_in_dim3A_56 : vector<16xi1>, vector<16xi32>
    %add3A_126 = arith.addi %add3A_114, %select_n3A_125 : vector<16xi32>
    %broadcast_in_dim3A_127 = arith.constant -200 : i32
    %broadcast_in_dim3A_128 = vector.broadcast %broadcast_in_dim3A_127 : i32 to vector<16xi32>
    %add3A_129 = arith.addi %convert_element_type3A, %broadcast_in_dim3A_128 : vector<16xi32>
    %broadcast_in_dim3A_130 = arith.constant 11900 : i32
    %broadcast_in_dim3A_131 = vector.broadcast %broadcast_in_dim3A_130 : i32 to vector<16xi32>
    %ge3A_132 = arith.cmpi sge, %add3A_129, %broadcast_in_dim3A_56 : vector<16xi32>
    %le3A_133 = arith.cmpi sle, %add3A_129, %broadcast_in_dim3A_131 : vector<16xi32>
    %and3A_134 = arith.andi %ge3A_132, %le3A_133 : vector<16xi1>
    %broadcast_in_dim3A_135 = arith.constant 1 : i32
    %broadcast_in_dim3A_136 = vector.broadcast %broadcast_in_dim3A_135 : i32 to vector<16xi32>
    %select_n3A_137 = arith.select %and3A_134, %broadcast_in_dim3A_136, %broadcast_in_dim3A_56 : vector<16xi1>, vector<16xi32>
    %add3A_138 = arith.addi %add3A_126, %select_n3A_137 : vector<16xi32>
    %broadcast_in_dim3A_139 = arith.constant -100 : i32
    %broadcast_in_dim3A_140 = vector.broadcast %broadcast_in_dim3A_139 : i32 to vector<16xi32>
    %add3A_141 = arith.addi %convert_element_type3A, %broadcast_in_dim3A_140 : vector<16xi32>
    %broadcast_in_dim3A_142 = arith.constant 11900 : i32
    %broadcast_in_dim3A_143 = vector.broadcast %broadcast_in_dim3A_142 : i32 to vector<16xi32>
    %ge3A_144 = arith.cmpi sge, %add3A_141, %broadcast_in_dim3A_56 : vector<16xi32>
    %le3A_145 = arith.cmpi sle, %add3A_141, %broadcast_in_dim3A_143 : vector<16xi32>
    %and3A_146 = arith.andi %ge3A_144, %le3A_145 : vector<16xi1>
    %broadcast_in_dim3A_147 = arith.constant 1 : i32
    %broadcast_in_dim3A_148 = vector.broadcast %broadcast_in_dim3A_147 : i32 to vector<16xi32>
    %select_n3A_149 = arith.select %and3A_146, %broadcast_in_dim3A_148, %broadcast_in_dim3A_56 : vector<16xi1>, vector<16xi32>
    %add3A_150 = arith.addi %add3A_138, %select_n3A_149 : vector<16xi32>
    %broadcast_in_dim3A_151 = arith.constant 0 : i32
    %broadcast_in_dim3A_152 = vector.broadcast %broadcast_in_dim3A_151 : i32 to vector<16xi32>
    %add3A_153 = arith.addi %convert_element_type3A, %broadcast_in_dim3A_152 : vector<16xi32>
    %broadcast_in_dim3A_154 = arith.constant 11900 : i32
    %broadcast_in_dim3A_155 = vector.broadcast %broadcast_in_dim3A_154 : i32 to vector<16xi32>
    %ge3A_156 = arith.cmpi sge, %add3A_153, %broadcast_in_dim3A_56 : vector<16xi32>
    %le3A_157 = arith.cmpi sle, %add3A_153, %broadcast_in_dim3A_155 : vector<16xi32>
    %and3A_158 = arith.andi %ge3A_156, %le3A_157 : vector<16xi1>
    %broadcast_in_dim3A_159 = arith.constant 1 : i32
    %broadcast_in_dim3A_160 = vector.broadcast %broadcast_in_dim3A_159 : i32 to vector<16xi32>
    %select_n3A_161 = arith.select %and3A_158, %broadcast_in_dim3A_160, %broadcast_in_dim3A_56 : vector<16xi1>, vector<16xi32>
    %add3A_162 = arith.addi %add3A_150, %select_n3A_161 : vector<16xi32>
    %broadcast_in_dim3A_163 = arith.constant 100 : i32
    %broadcast_in_dim3A_164 = vector.broadcast %broadcast_in_dim3A_163 : i32 to vector<16xi32>
    %add3A_165 = arith.addi %convert_element_type3A, %broadcast_in_dim3A_164 : vector<16xi32>
    %broadcast_in_dim3A_166 = arith.constant 11900 : i32
    %broadcast_in_dim3A_167 = vector.broadcast %broadcast_in_dim3A_166 : i32 to vector<16xi32>
    %ge3A_168 = arith.cmpi sge, %add3A_165, %broadcast_in_dim3A_56 : vector<16xi32>
    %le3A_169 = arith.cmpi sle, %add3A_165, %broadcast_in_dim3A_167 : vector<16xi32>
    %and3A_170 = arith.andi %ge3A_168, %le3A_169 : vector<16xi1>
    %broadcast_in_dim3A_171 = arith.constant 1 : i32
    %broadcast_in_dim3A_172 = vector.broadcast %broadcast_in_dim3A_171 : i32 to vector<16xi32>
    %select_n3A_173 = arith.select %and3A_170, %broadcast_in_dim3A_172, %broadcast_in_dim3A_56 : vector<16xi1>, vector<16xi32>
    %add3A_174 = arith.addi %add3A_162, %select_n3A_173 : vector<16xi32>
    %broadcast_in_dim3A_175 = arith.constant 200 : i32
    %broadcast_in_dim3A_176 = vector.broadcast %broadcast_in_dim3A_175 : i32 to vector<16xi32>
    %add3A_177 = arith.addi %convert_element_type3A, %broadcast_in_dim3A_176 : vector<16xi32>
    %broadcast_in_dim3A_178 = arith.constant 11900 : i32
    %broadcast_in_dim3A_179 = vector.broadcast %broadcast_in_dim3A_178 : i32 to vector<16xi32>
    %ge3A_180 = arith.cmpi sge, %add3A_177, %broadcast_in_dim3A_56 : vector<16xi32>
    %le3A_181 = arith.cmpi sle, %add3A_177, %broadcast_in_dim3A_179 : vector<16xi32>
    %and3A_182 = arith.andi %ge3A_180, %le3A_181 : vector<16xi1>
    %broadcast_in_dim3A_183 = arith.constant 1 : i32
    %broadcast_in_dim3A_184 = vector.broadcast %broadcast_in_dim3A_183 : i32 to vector<16xi32>
    %select_n3A_185 = arith.select %and3A_182, %broadcast_in_dim3A_184, %broadcast_in_dim3A_56 : vector<16xi1>, vector<16xi32>
    %add3A_186 = arith.addi %add3A_174, %select_n3A_185 : vector<16xi32>
    %broadcast_in_dim3A_187 = arith.constant 300 : i32
    %broadcast_in_dim3A_188 = vector.broadcast %broadcast_in_dim3A_187 : i32 to vector<16xi32>
    %add3A_189 = arith.addi %convert_element_type3A, %broadcast_in_dim3A_188 : vector<16xi32>
    %broadcast_in_dim3A_190 = arith.constant 11900 : i32
    %broadcast_in_dim3A_191 = vector.broadcast %broadcast_in_dim3A_190 : i32 to vector<16xi32>
    %ge3A_192 = arith.cmpi sge, %add3A_189, %broadcast_in_dim3A_56 : vector<16xi32>
    %le3A_193 = arith.cmpi sle, %add3A_189, %broadcast_in_dim3A_191 : vector<16xi32>
    %and3A_194 = arith.andi %ge3A_192, %le3A_193 : vector<16xi1>
    %broadcast_in_dim3A_195 = arith.constant 1 : i32
    %broadcast_in_dim3A_196 = vector.broadcast %broadcast_in_dim3A_195 : i32 to vector<16xi32>
    %select_n3A_197 = arith.select %and3A_194, %broadcast_in_dim3A_196, %broadcast_in_dim3A_56 : vector<16xi1>, vector<16xi32>
    %add3A_198 = arith.addi %add3A_186, %select_n3A_197 : vector<16xi32>
    %broadcast_in_dim3A_199 = arith.constant 400 : i32
    %broadcast_in_dim3A_200 = vector.broadcast %broadcast_in_dim3A_199 : i32 to vector<16xi32>
    %add3A_201 = arith.addi %convert_element_type3A, %broadcast_in_dim3A_200 : vector<16xi32>
    %broadcast_in_dim3A_202 = arith.constant 11900 : i32
    %broadcast_in_dim3A_203 = vector.broadcast %broadcast_in_dim3A_202 : i32 to vector<16xi32>
    %ge3A_204 = arith.cmpi sge, %add3A_201, %broadcast_in_dim3A_56 : vector<16xi32>
    %le3A_205 = arith.cmpi sle, %add3A_201, %broadcast_in_dim3A_203 : vector<16xi32>
    %and3A_206 = arith.andi %ge3A_204, %le3A_205 : vector<16xi1>
    %broadcast_in_dim3A_207 = arith.constant 1 : i32
    %broadcast_in_dim3A_208 = vector.broadcast %broadcast_in_dim3A_207 : i32 to vector<16xi32>
    %select_n3A_209 = arith.select %and3A_206, %broadcast_in_dim3A_208, %broadcast_in_dim3A_56 : vector<16xi1>, vector<16xi32>
    %add3A_210 = arith.addi %add3A_198, %select_n3A_209 : vector<16xi32>
    %broadcast_in_dim3A_211 = arith.constant 500 : i32
    %broadcast_in_dim3A_212 = vector.broadcast %broadcast_in_dim3A_211 : i32 to vector<16xi32>
    %add3A_213 = arith.addi %convert_element_type3A, %broadcast_in_dim3A_212 : vector<16xi32>
    %broadcast_in_dim3A_214 = arith.constant 11900 : i32
    %broadcast_in_dim3A_215 = vector.broadcast %broadcast_in_dim3A_214 : i32 to vector<16xi32>
    %ge3A_216 = arith.cmpi sge, %add3A_213, %broadcast_in_dim3A_56 : vector<16xi32>
    %le3A_217 = arith.cmpi sle, %add3A_213, %broadcast_in_dim3A_215 : vector<16xi32>
    %and3A_218 = arith.andi %ge3A_216, %le3A_217 : vector<16xi1>
    %broadcast_in_dim3A_219 = arith.constant 1 : i32
    %broadcast_in_dim3A_220 = vector.broadcast %broadcast_in_dim3A_219 : i32 to vector<16xi32>
    %select_n3A_221 = arith.select %and3A_218, %broadcast_in_dim3A_220, %broadcast_in_dim3A_56 : vector<16xi1>, vector<16xi32>
    %add3A_222 = arith.addi %add3A_210, %select_n3A_221 : vector<16xi32>
    %broadcast_in_dim3A_223 = arith.constant 600 : i32
    %broadcast_in_dim3A_224 = vector.broadcast %broadcast_in_dim3A_223 : i32 to vector<16xi32>
    %add3A_225 = arith.addi %convert_element_type3A, %broadcast_in_dim3A_224 : vector<16xi32>
    %broadcast_in_dim3A_226 = arith.constant 11900 : i32
    %broadcast_in_dim3A_227 = vector.broadcast %broadcast_in_dim3A_226 : i32 to vector<16xi32>
    %ge3A_228 = arith.cmpi sge, %add3A_225, %broadcast_in_dim3A_56 : vector<16xi32>
    %le3A_229 = arith.cmpi sle, %add3A_225, %broadcast_in_dim3A_227 : vector<16xi32>
    %and3A_230 = arith.andi %ge3A_228, %le3A_229 : vector<16xi1>
    %broadcast_in_dim3A_231 = arith.constant 1 : i32
    %broadcast_in_dim3A_232 = vector.broadcast %broadcast_in_dim3A_231 : i32 to vector<16xi32>
    %select_n3A_233 = arith.select %and3A_230, %broadcast_in_dim3A_232, %broadcast_in_dim3A_56 : vector<16xi1>, vector<16xi32>
    %add3A_234 = arith.addi %add3A_222, %select_n3A_233 : vector<16xi32>
    %broadcast_in_dim3A_235 = arith.constant 700 : i32
    %broadcast_in_dim3A_236 = vector.broadcast %broadcast_in_dim3A_235 : i32 to vector<16xi32>
    %add3A_237 = arith.addi %convert_element_type3A, %broadcast_in_dim3A_236 : vector<16xi32>
    %broadcast_in_dim3A_238 = arith.constant 11900 : i32
    %broadcast_in_dim3A_239 = vector.broadcast %broadcast_in_dim3A_238 : i32 to vector<16xi32>
    %ge3A_240 = arith.cmpi sge, %add3A_237, %broadcast_in_dim3A_56 : vector<16xi32>
    %le3A_241 = arith.cmpi sle, %add3A_237, %broadcast_in_dim3A_239 : vector<16xi32>
    %and3A_242 = arith.andi %ge3A_240, %le3A_241 : vector<16xi1>
    %broadcast_in_dim3A_243 = arith.constant 1 : i32
    %broadcast_in_dim3A_244 = vector.broadcast %broadcast_in_dim3A_243 : i32 to vector<16xi32>
    %select_n3A_245 = arith.select %and3A_242, %broadcast_in_dim3A_244, %broadcast_in_dim3A_56 : vector<16xi1>, vector<16xi32>
    %add3A_246 = arith.addi %add3A_234, %select_n3A_245 : vector<16xi32>
    %broadcast_in_dim3A_247 = arith.constant 800 : i32
    %broadcast_in_dim3A_248 = vector.broadcast %broadcast_in_dim3A_247 : i32 to vector<16xi32>
    %add3A_249 = arith.addi %convert_element_type3A, %broadcast_in_dim3A_248 : vector<16xi32>
    %broadcast_in_dim3A_250 = arith.constant 11900 : i32
    %broadcast_in_dim3A_251 = vector.broadcast %broadcast_in_dim3A_250 : i32 to vector<16xi32>
    %ge3A_252 = arith.cmpi sge, %add3A_249, %broadcast_in_dim3A_56 : vector<16xi32>
    %le3A_253 = arith.cmpi sle, %add3A_249, %broadcast_in_dim3A_251 : vector<16xi32>
    %and3A_254 = arith.andi %ge3A_252, %le3A_253 : vector<16xi1>
    %broadcast_in_dim3A_255 = arith.constant 1 : i32
    %broadcast_in_dim3A_256 = vector.broadcast %broadcast_in_dim3A_255 : i32 to vector<16xi32>
    %select_n3A_257 = arith.select %and3A_254, %broadcast_in_dim3A_256, %broadcast_in_dim3A_56 : vector<16xi1>, vector<16xi32>
    %add3A_258 = arith.addi %add3A_246, %select_n3A_257 : vector<16xi32>
    %broadcast_in_dim3A_259 = arith.constant 900 : i32
    %broadcast_in_dim3A_260 = vector.broadcast %broadcast_in_dim3A_259 : i32 to vector<16xi32>
    %add3A_261 = arith.addi %convert_element_type3A, %broadcast_in_dim3A_260 : vector<16xi32>
    %broadcast_in_dim3A_262 = arith.constant 11900 : i32
    %broadcast_in_dim3A_263 = vector.broadcast %broadcast_in_dim3A_262 : i32 to vector<16xi32>
    %ge3A_264 = arith.cmpi sge, %add3A_261, %broadcast_in_dim3A_56 : vector<16xi32>
    %le3A_265 = arith.cmpi sle, %add3A_261, %broadcast_in_dim3A_263 : vector<16xi32>
    %and3A_266 = arith.andi %ge3A_264, %le3A_265 : vector<16xi1>
    %broadcast_in_dim3A_267 = arith.constant 1 : i32
    %broadcast_in_dim3A_268 = vector.broadcast %broadcast_in_dim3A_267 : i32 to vector<16xi32>
    %select_n3A_269 = arith.select %and3A_266, %broadcast_in_dim3A_268, %broadcast_in_dim3A_56 : vector<16xi1>, vector<16xi32>
    %add3A_270 = arith.addi %add3A_258, %select_n3A_269 : vector<16xi32>
    %broadcast_in_dim3A_271 = arith.constant 1000 : i32
    %broadcast_in_dim3A_272 = vector.broadcast %broadcast_in_dim3A_271 : i32 to vector<16xi32>
    %add3A_273 = arith.addi %convert_element_type3A, %broadcast_in_dim3A_272 : vector<16xi32>
    %broadcast_in_dim3A_274 = arith.constant 11900 : i32
    %broadcast_in_dim3A_275 = vector.broadcast %broadcast_in_dim3A_274 : i32 to vector<16xi32>
    %ge3A_276 = arith.cmpi sge, %add3A_273, %broadcast_in_dim3A_56 : vector<16xi32>
    %le3A_277 = arith.cmpi sle, %add3A_273, %broadcast_in_dim3A_275 : vector<16xi32>
    %and3A_278 = arith.andi %ge3A_276, %le3A_277 : vector<16xi1>
    %broadcast_in_dim3A_279 = arith.constant 1 : i32
    %broadcast_in_dim3A_280 = vector.broadcast %broadcast_in_dim3A_279 : i32 to vector<16xi32>
    %select_n3A_281 = arith.select %and3A_278, %broadcast_in_dim3A_280, %broadcast_in_dim3A_56 : vector<16xi1>, vector<16xi32>
    %add3A_282 = arith.addi %add3A_270, %select_n3A_281 : vector<16xi32>
    %broadcast_in_dim3A_283 = arith.constant 1100 : i32
    %broadcast_in_dim3A_284 = vector.broadcast %broadcast_in_dim3A_283 : i32 to vector<16xi32>
    %add3A_285 = arith.addi %convert_element_type3A, %broadcast_in_dim3A_284 : vector<16xi32>
    %broadcast_in_dim3A_286 = arith.constant 11900 : i32
    %broadcast_in_dim3A_287 = vector.broadcast %broadcast_in_dim3A_286 : i32 to vector<16xi32>
    %ge3A_288 = arith.cmpi sge, %add3A_285, %broadcast_in_dim3A_56 : vector<16xi32>
    %le3A_289 = arith.cmpi sle, %add3A_285, %broadcast_in_dim3A_287 : vector<16xi32>
    %and3A_290 = arith.andi %ge3A_288, %le3A_289 : vector<16xi1>
    %broadcast_in_dim3A_291 = arith.constant 1 : i32
    %broadcast_in_dim3A_292 = vector.broadcast %broadcast_in_dim3A_291 : i32 to vector<16xi32>
    %select_n3A_293 = arith.select %and3A_290, %broadcast_in_dim3A_292, %broadcast_in_dim3A_56 : vector<16xi1>, vector<16xi32>
    %add3A_294 = arith.addi %add3A_282, %select_n3A_293 : vector<16xi32>
    %jit3A_295 = arith.constant 4 : i32
    %eq3A_296 = arith.constant 0 : i32
    %eq3A_297 = arith.cmpi eq, %jit3A_295, %eq3A_296 : i32
    %jit3A_298 = arith.constant 1 : i32
    %select_n3A_299 = arith.select %eq3A_297, %jit3A_298, %jit3A_295 : i32
    %rem3A_300 = arith.remsi %add3A, %select_n3A_299 : i32
    %ne3A_301 = arith.constant 0 : i32
    %ne3A_302 = arith.cmpi ne, %rem3A_300, %ne3A_301 : i32
    %lt3A_303 = arith.constant 0 : i32
    %lt3A_304 = arith.cmpi slt, %rem3A_300, %lt3A_303 : i32
    %lt3A_305 = arith.constant 0 : i32
    %lt3A_306 = arith.cmpi slt, %select_n3A_299, %lt3A_305 : i32
    %ne3A_307 = arith.xori %lt3A_304, %lt3A_306 : i1
    %and3A_308 = arith.andi %ne3A_307, %ne3A_302 : i1
    %add3A_309 = arith.addi %rem3A_300, %select_n3A_299 : i32
    %select_n3A_310 = arith.select %and3A_308, %add3A_309, %rem3A_300 : i32
    %eq3A_311 = arith.constant 0 : i32
    %eq3A_312 = arith.cmpi eq, %select_n3A_310, %eq3A_311 : i32
    %convert_element_type3A_313 = arith.extui %eq3A_312 : i1 to i32
    %cond3A = arith.constant 0 : i32
    %cond3A_314 = arith.cmpi ne, %convert_element_type3A_313, %cond3A : i32
    scf.if %cond3A_314 {
      %swap3A = arith.constant 0 : index
      %swap3A_339 = tpu.vector_load %arg11[%swap3A] {strides = array<i32>} : memref<16xi32, #tpu.memory_space<vmem>>, vector<16xi32>,
      tpu.vector_store %arg11[%swap3A], %add3A_294 {strides = array<i32>} : memref<16xi32, #tpu.memory_space<vmem>>, vector<16xi32>,
      %mul3A_340 = arith.constant 16 : i32
      %mul3A_341 = arith.muli %select_n3A, %mul3A_340 : i32
      "tpu.region"() ({
        %run_scoped3A = tpu.sem_alloc : memref<!tpu.dma_semaphore, #tpu.memory_space<semaphore_mem>>
        %dma_start3A_342 = tpu.memref_slice %arg6[%mul3A_341] : memref<128xi32, #tpu.memory_space<hbm>> -> memref<16xi32, #tpu.memory_space<hbm>>
        %dma_start3A_343 = tpu.memref_slice %arg6[%mul3A_341] : memref<128xi32, #tpu.memory_space<hbm>> -> memref<16xi32, #tpu.memory_space<hbm>>
        tpu.enqueue_dma source(%arg11 : memref<16xi32, #tpu.memory_space<vmem>>) target(%dma_start3A_343 : memref<16xi32, #tpu.memory_space<hbm>>) target_semaphore(%run_scoped3A : memref<!tpu.dma_semaphore, #tpu.memory_space<semaphore_mem>>)
        %dma_wait3A_344 = tpu.memref_slice %arg6[%mul3A_341] : memref<128xi32, #tpu.memory_space<hbm>> -> memref<16xi32, #tpu.memory_space<hbm>>
        %dma_wait3A_345 = tpu.memref_slice %arg6[%mul3A_341] : memref<128xi32, #tpu.memory_space<hbm>> -> memref<16xi32, #tpu.memory_space<hbm>>
        tpu.wait_dma2 semaphore(%run_scoped3A : memref<!tpu.dma_semaphore, #tpu.memory_space<semaphore_mem>>) src(%arg11 : memref<16xi32, #tpu.memory_space<vmem>>) dst(%dma_wait3A_345 : memref<16xi32, #tpu.memory_space<hbm>>)
        tpu.yield
      }) : () -> ()
    } else {
    }
    %broadcast_in_dim3A_315 = arith.constant 0.000000e+00 : f32
    %broadcast_in_dim3A_316 = vector.broadcast %broadcast_in_dim3A_315 : f32 to vector<16xf32>
    %parallel_loop3A = arith.constant 0 : i32
    %parallel_loop3A_317 = arith.constant 1344 : i32
    %parallel_loop3A_318 = arith.constant 1 : i32
    scf.for %parallel_loop3A_339 = %parallel_loop3A to %parallel_loop3A_317 step %parallel_loop3A_318  : i32 {
      %parallel_loop3A_340 = arith.constant 16 : i32
      %parallel_loop3A_341 = arith.muli %parallel_loop3A_339, %parallel_loop3A_340 : i32
      %parallel_loop3A_342 = arith.index_cast %parallel_loop3A_341 : i32 to index
      %parallel_loop3A_343 = tpu.vector_load %arg8[%parallel_loop3A_342] {strides = array<i32>} : memref<61440xf32, #tpu.memory_space<vmem>>, vector<16xf32>,
      tpu.vector_store %arg8[%parallel_loop3A_342], %broadcast_in_dim3A_316 {strides = array<i32>} : memref<61440xf32, #tpu.memory_space<vmem>>, vector<16xf32>,
    } {sc.loop_unroll_factor = 4 : i64, sc.parallel_access}
    %scan3A = arith.constant 0 : i32
    %scan3A_319 = arith.constant 0 : i32
    %scan3A_320 = arith.constant 4 : i32
    %scan3A_321 = arith.addi %scan3A_319, %scan3A_320 : i32
    %scan3A_322 = arith.constant 1 : i32
    scf.for %scan3A_339 = %scan3A_319 to %scan3A_321 step %scan3A_322  : i32 {
      %dma_wait3A_340 = arith.constant 0 : i32
      %dma_wait3A_341 = tpu.memref_slice %arg7[%dma_wait3A_340] : memref<62304xf32, #tpu.memory_space<vmem>> -> memref<31152xf32, #tpu.memory_space<vmem>>
      %dma_wait3A_342 = arith.constant 0 : i32
      %dma_wait3A_343 = tpu.memref_slice %arg2[%dma_wait3A_342] : memref<3987456xf32, #tpu.memory_space<hbm>> -> memref<31152xf32, #tpu.memory_space<hbm>>
      %dma_wait3A_344 = arith.constant 0 : i32
      %dma_wait3A_345 = tpu.memref_slice %arg7[%dma_wait3A_344] : memref<62304xf32, #tpu.memory_space<vmem>> -> memref<31152xf32, #tpu.memory_space<vmem>>
      %dma_wait3A_346 = arith.constant 0 : i32
      %dma_wait3A_347 = tpu.memref_slice %arg2[%dma_wait3A_346] : memref<3987456xf32, #tpu.memory_space<hbm>> -> memref<31152xf32, #tpu.memory_space<hbm>>
      tpu.wait_dma2 semaphore(%arg12 : memref<!tpu.dma_semaphore, #tpu.memory_space<semaphore_mem>>) src(%dma_wait3A_347 : memref<31152xf32, #tpu.memory_space<hbm>>) dst(%dma_wait3A_345 : memref<31152xf32, #tpu.memory_space<vmem>>)
      %add3A_348 = arith.constant 1 : i32
      %add3A_349 = arith.addi %scan3A_339, %add3A_348 : i32
      %lt3A_350 = arith.constant 4 : i32
      %lt3A_351 = arith.cmpi slt, %add3A_349, %lt3A_350 : i32
      %convert_element_type3A_352 = arith.extui %lt3A_351 : i1 to i32
      %cond3A_353 = arith.constant 0 : i32
      %cond3A_354 = arith.cmpi ne, %convert_element_type3A_352, %cond3A_353 : i32
      scf.if %cond3A_354 {
        %add3A_419 = arith.constant 1 : i32
        %add3A_420 = arith.addi %scan3A_339, %add3A_419 : i32
        %add3A_421 = arith.addi %add3A_35, %add3A_420 : i32
        %mul3A_422 = arith.constant 31152 : i32
        %mul3A_423 = arith.muli %add3A_421, %mul3A_422 : i32
        %jit3A_424 = arith.constant 2 : i32
        %eq3A_425 = arith.constant 0 : i32
        %eq3A_426 = arith.cmpi eq, %jit3A_424, %eq3A_425 : i32
        %jit3A_427 = arith.constant 1 : i32
        %select_n3A_428 = arith.select %eq3A_426, %jit3A_427, %jit3A_424 : i32
        %rem3A_429 = arith.remsi %add3A_420, %select_n3A_428 : i32
        %ne3A_430 = arith.constant 0 : i32
        %ne3A_431 = arith.cmpi ne, %rem3A_429, %ne3A_430 : i32
        %lt3A_432 = arith.constant 0 : i32
        %lt3A_433 = arith.cmpi slt, %rem3A_429, %lt3A_432 : i32
        %lt3A_434 = arith.constant 0 : i32
        %lt3A_435 = arith.cmpi slt, %select_n3A_428, %lt3A_434 : i32
        %ne3A_436 = arith.xori %lt3A_433, %lt3A_435 : i1
        %and3A_437 = arith.andi %ne3A_436, %ne3A_431 : i1
        %add3A_438 = arith.addi %rem3A_429, %select_n3A_428 : i32
        %select_n3A_439 = arith.select %and3A_437, %add3A_438, %rem3A_429 : i32
        %mul3A_440 = arith.constant 31152 : i32
        %mul3A_441 = arith.muli %select_n3A_439, %mul3A_440 : i32
        %dma_start3A_442 = tpu.memref_slice %arg7[%mul3A_441] : memref<62304xf32, #tpu.memory_space<vmem>> -> memref<31152xf32, #tpu.memory_space<vmem>>
        %dma_start3A_443 = tpu.memref_slice %arg2[%mul3A_423] : memref<3987456xf32, #tpu.memory_space<hbm>> -> memref<31152xf32, #tpu.memory_space<hbm>>
        %dma_start3A_444 = tpu.memref_slice %arg7[%mul3A_441] : memref<62304xf32, #tpu.memory_space<vmem>> -> memref<31152xf32, #tpu.memory_space<vmem>>
        %dma_start3A_445 = tpu.memref_slice %arg2[%mul3A_423] : memref<3987456xf32, #tpu.memory_space<hbm>> -> memref<31152xf32, #tpu.memory_space<hbm>>
        tpu.enqueue_dma source(%dma_start3A_445 : memref<31152xf32, #tpu.memory_space<hbm>>) target(%dma_start3A_444 : memref<31152xf32, #tpu.memory_space<vmem>>) target_semaphore(%arg12 : memref<!tpu.dma_semaphore, #tpu.memory_space<semaphore_mem>>)
      } else {
      }
      %add3A_355 = arith.addi %mul3A_32, %scan3A_339 : i32
      %broadcast_in_dim3A_356 = vector.broadcast %add3A_355 : i32 to vector<16xi32>
      %eq3A_357 = arith.cmpi eq, %iota3A, %broadcast_in_dim3A_356 : vector<16xi32>
      %select_n3A_358 = arith.select %eq3A_357, %convert_element_type3A, %broadcast_in_dim3A_56 : vector<16xi1>, vector<16xi32>
      %reduce_sum3A = arith.constant true
      %reduce_sum3A_359 = vector.broadcast %reduce_sum3A : i1 to vector<16xi1>
      %reduce_sum3A_360 = tpu.scan <sum>, %select_n3A_358 masked %reduce_sum3A_359 : vector<16xi32>, vector<16xi1> -> vector<16xi32>
      %reduce_sum3A_361 = vector.extract %reduce_sum3A_360[15] : i32 from vector<16xi32>
      %jit3A_362 = arith.constant 2 : i32
      %eq3A_363 = arith.constant 0 : i32
      %eq3A_364 = arith.cmpi eq, %jit3A_362, %eq3A_363 : i32
      %jit3A_365 = arith.constant 1 : i32
      %select_n3A_366 = arith.select %eq3A_364, %jit3A_365, %jit3A_362 : i32
      %rem3A_367 = arith.remsi %scan3A_339, %select_n3A_366 : i32
      %ne3A_368 = arith.constant 0 : i32
      %ne3A_369 = arith.cmpi ne, %rem3A_367, %ne3A_368 : i32
      %lt3A_370 = arith.constant 0 : i32
      %lt3A_371 = arith.cmpi slt, %rem3A_367, %lt3A_370 : i32
      %lt3A_372 = arith.constant 0 : i32
      %lt3A_373 = arith.cmpi slt, %select_n3A_366, %lt3A_372 : i32
      %ne3A_374 = arith.xori %lt3A_371, %lt3A_373 : i1
      %and3A_375 = arith.andi %ne3A_374, %ne3A_369 : i1
      %add3A_376 = arith.addi %rem3A_367, %select_n3A_366 : i32
      %select_n3A_377 = arith.select %and3A_375, %add3A_376, %rem3A_367 : i32
      %gt3A = arith.constant 0 : i32
      %gt3A_378 = arith.cmpi sgt, %scan3A_339, %gt3A : i32
      %convert_element_type3A_379 = arith.extui %gt3A_378 : i1 to i32
      %cond3A_380 = arith.constant 0 : i32
      %cond3A_381 = arith.cmpi ne, %convert_element_type3A_379, %cond3A_380 : i32
      scf.if %cond3A_381 {
        %dma_wait3A_419 = arith.constant 0 : i32
        %dma_wait3A_420 = tpu.memref_slice %arg8[%dma_wait3A_419] : memref<61440xf32, #tpu.memory_space<vmem>> -> memref<30720xf32, #tpu.memory_space<vmem>>
        %dma_wait3A_421 = arith.constant 0 : i32
        %dma_wait3A_422 = tpu.memref_slice %arg5[%dma_wait3A_421] : memref<7864320xf32, #tpu.memory_space<hbm>> -> memref<30720xf32, #tpu.memory_space<hbm>>
        %dma_wait3A_423 = arith.constant 0 : i32
        %dma_wait3A_424 = tpu.memref_slice %arg5[%dma_wait3A_423] : memref<7864320xf32, #tpu.memory_space<hbm>> -> memref<30720xf32, #tpu.memory_space<hbm>>
        %dma_wait3A_425 = arith.constant 0 : i32
        %dma_wait3A_426 = tpu.memref_slice %arg8[%dma_wait3A_425] : memref<61440xf32, #tpu.memory_space<vmem>> -> memref<30720xf32, #tpu.memory_space<vmem>>
        tpu.wait_dma2 semaphore(%arg13 : memref<!tpu.dma_semaphore, #tpu.memory_space<semaphore_mem>>) src(%dma_wait3A_426 : memref<30720xf32, #tpu.memory_space<vmem>>) dst(%dma_wait3A_424 : memref<30720xf32, #tpu.memory_space<hbm>>)
      } else {
      }
      %scan3A_382 = arith.constant 0 : i32
      %scan3A_383 = arith.constant 7 : i32
      %scan3A_384 = arith.constant 3 : i32
      %scan3A_385 = arith.addi %scan3A_383, %scan3A_384 : i32
      %scan3A_386 = arith.constant 1 : i32
      scf.for %scan3A_419 = %scan3A_383 to %scan3A_385 step %scan3A_386  : i32 {
        %sub3A_420 = arith.constant 8 : i32
        %sub3A_421 = arith.subi %scan3A_419, %sub3A_420 : i32
        %mul3A_422 = arith.constant 100 : i32
        %mul3A_423 = arith.muli %sub3A_421, %mul3A_422 : i32
        %add3A_424 = arith.addi %reduce_sum3A_361, %mul3A_423 : i32
        %ge3A_425 = arith.constant 0 : i32
        %ge3A_426 = arith.cmpi sge, %add3A_424, %ge3A_425 : i32
        %convert_element_type3A_427 = arith.extui %ge3A_426 : i1 to i32
        %cond3A_428 = arith.constant 0 : i32
        %cond3A_429 = arith.cmpi ne, %convert_element_type3A_427, %cond3A_428 : i32
        scf.if %cond3A_429 {
          %mul3A_434 = arith.constant 31152 : i32
          %mul3A_435 = arith.muli %select_n3A_377, %mul3A_434 : i32
          %parallel_loop3A_436 = arith.constant 0 : i32
          %parallel_loop3A_437 = arith.constant 22 : i32
          %parallel_loop3A_438 = arith.constant 1 : i32
          scf.for %parallel_loop3A_439 = %parallel_loop3A_436 to %parallel_loop3A_437 step %parallel_loop3A_438  : i32 {
            %parallel_loop3A_440 = arith.constant 1416 : i32
            %parallel_loop3A_441 = arith.muli %parallel_loop3A_439, %parallel_loop3A_440 : i32
            %parallel_loop3A_442 = arith.addi %mul3A_435, %parallel_loop3A_441 : i32
            %parallel_loop3A_443 = arith.addi %parallel_loop3A_442, %add3A_424 : i32
            %parallel_loop3A_444 = arith.constant 24 : i32
            %parallel_loop3A_445 = arith.muli %scan3A_419, %parallel_loop3A_444 : i32
            %parallel_loop3A_446 = arith.addi %parallel_loop3A_445, %parallel_loop3A_439 : i32
            %parallel_loop3A_447 = arith.constant 128 : i32
            %parallel_loop3A_448 = arith.muli %parallel_loop3A_446, %parallel_loop3A_447 : i32
            %parallel_loop3A_449 = arith.constant 0 : i32
            %parallel_loop3A_450 = arith.addi %parallel_loop3A_443, %parallel_loop3A_449 : i32
            %parallel_loop3A_451 = arith.index_cast %parallel_loop3A_450 : i32 to index
            %parallel_loop3A_452 = tpu.vector_load %arg7[%parallel_loop3A_451] {strides = array<i32>} : memref<62304xf32, #tpu.memory_space<vmem>>, vector<16xf32>,
            %parallel_loop3A_453 = arith.constant 0 : i32
            %parallel_loop3A_454 = arith.addi %parallel_loop3A_448, %parallel_loop3A_453 : i32
            %parallel_loop3A_455 = arith.index_cast %parallel_loop3A_454 : i32 to index
            %parallel_loop3A_456 = tpu.vector_load %arg8[%parallel_loop3A_455] {strides = array<i32>} : memref<61440xf32, #tpu.memory_space<vmem>>, vector<16xf32>,
            tpu.vector_store %arg8[%parallel_loop3A_455], %parallel_loop3A_452 {strides = array<i32>} : memref<61440xf32, #tpu.memory_space<vmem>>, vector<16xf32>,
            %parallel_loop3A_457 = arith.constant 16 : i32
            %parallel_loop3A_458 = arith.addi %parallel_loop3A_443, %parallel_loop3A_457 : i32
            %parallel_loop3A_459 = arith.index_cast %parallel_loop3A_458 : i32 to index
            %parallel_loop3A_460 = tpu.vector_load %arg7[%parallel_loop3A_459] {strides = array<i32>} : memref<62304xf32, #tpu.memory_space<vmem>>, vector<16xf32>,
            %parallel_loop3A_461 = arith.constant 16 : i32
            %parallel_loop3A_462 = arith.addi %parallel_loop3A_448, %parallel_loop3A_461 : i32
            %parallel_loop3A_463 = arith.index_cast %parallel_loop3A_462 : i32 to index
            %parallel_loop3A_464 = tpu.vector_load %arg8[%parallel_loop3A_463] {strides = array<i32>} : memref<61440xf32, #tpu.memory_space<vmem>>, vector<16xf32>,
            tpu.vector_store %arg8[%parallel_loop3A_463], %parallel_loop3A_460 {strides = array<i32>} : memref<61440xf32, #tpu.memory_space<vmem>>, vector<16xf32>,
            %parallel_loop3A_465 = arith.constant 32 : i32
            %parallel_loop3A_466 = arith.addi %parallel_loop3A_443, %parallel_loop3A_465 : i32
            %parallel_loop3A_467 = arith.index_cast %parallel_loop3A_466 : i32 to index
            %parallel_loop3A_468 = tpu.vector_load %arg7[%parallel_loop3A_467] {strides = array<i32>} : memref<62304xf32, #tpu.memory_space<vmem>>, vector<16xf32>,
            %parallel_loop3A_469 = arith.constant 32 : i32
            %parallel_loop3A_470 = arith.addi %parallel_loop3A_448, %parallel_loop3A_469 : i32
            %parallel_loop3A_471 = arith.index_cast %parallel_loop3A_470 : i32 to index
            %parallel_loop3A_472 = tpu.vector_load %arg8[%parallel_loop3A_471] {strides = array<i32>} : memref<61440xf32, #tpu.memory_space<vmem>>, vector<16xf32>,
            tpu.vector_store %arg8[%parallel_loop3A_471], %parallel_loop3A_468 {strides = array<i32>} : memref<61440xf32, #tpu.memory_space<vmem>>, vector<16xf32>,
            %parallel_loop3A_473 = arith.constant 48 : i32
            %parallel_loop3A_474 = arith.addi %parallel_loop3A_443, %parallel_loop3A_473 : i32
            %parallel_loop3A_475 = arith.index_cast %parallel_loop3A_474 : i32 to index
            %parallel_loop3A_476 = tpu.vector_load %arg7[%parallel_loop3A_475] {strides = array<i32>} : memref<62304xf32, #tpu.memory_space<vmem>>, vector<16xf32>,
            %parallel_loop3A_477 = arith.constant 48 : i32
            %parallel_loop3A_478 = arith.addi %parallel_loop3A_448, %parallel_loop3A_477 : i32
            %parallel_loop3A_479 = arith.index_cast %parallel_loop3A_478 : i32 to index
            %parallel_loop3A_480 = tpu.vector_load %arg8[%parallel_loop3A_479] {strides = array<i32>} : memref<61440xf32, #tpu.memory_space<vmem>>, vector<16xf32>,
            tpu.vector_store %arg8[%parallel_loop3A_479], %parallel_loop3A_476 {strides = array<i32>} : memref<61440xf32, #tpu.memory_space<vmem>>, vector<16xf32>,
            %parallel_loop3A_481 = arith.constant 64 : i32
            %parallel_loop3A_482 = arith.addi %parallel_loop3A_443, %parallel_loop3A_481 : i32
            %parallel_loop3A_483 = arith.index_cast %parallel_loop3A_482 : i32 to index
            %parallel_loop3A_484 = tpu.vector_load %arg7[%parallel_loop3A_483] {strides = array<i32>} : memref<62304xf32, #tpu.memory_space<vmem>>, vector<16xf32>,
            %parallel_loop3A_485 = arith.constant 64 : i32
            %parallel_loop3A_486 = arith.addi %parallel_loop3A_448, %parallel_loop3A_485 : i32
            %parallel_loop3A_487 = arith.index_cast %parallel_loop3A_486 : i32 to index
            %parallel_loop3A_488 = tpu.vector_load %arg8[%parallel_loop3A_487] {strides = array<i32>} : memref<61440xf32, #tpu.memory_space<vmem>>, vector<16xf32>,
            tpu.vector_store %arg8[%parallel_loop3A_487], %parallel_loop3A_484 {strides = array<i32>} : memref<61440xf32, #tpu.memory_space<vmem>>, vector<16xf32>,
            %parallel_loop3A_489 = arith.constant 80 : i32
            %parallel_loop3A_490 = arith.addi %parallel_loop3A_443, %parallel_loop3A_489 : i32
            %parallel_loop3A_491 = arith.index_cast %parallel_loop3A_490 : i32 to index
            %parallel_loop3A_492 = tpu.vector_load %arg7[%parallel_loop3A_491] {strides = array<i32>} : memref<62304xf32, #tpu.memory_space<vmem>>, vector<16xf32>,
            %parallel_loop3A_493 = arith.constant 80 : i32
            %parallel_loop3A_494 = arith.addi %parallel_loop3A_448, %parallel_loop3A_493 : i32
            %parallel_loop3A_495 = arith.index_cast %parallel_loop3A_494 : i32 to index
            %parallel_loop3A_496 = tpu.vector_load %arg8[%parallel_loop3A_495] {strides = array<i32>} : memref<61440xf32, #tpu.memory_space<vmem>>, vector<16xf32>,
            tpu.vector_store %arg8[%parallel_loop3A_495], %parallel_loop3A_492 {strides = array<i32>} : memref<61440xf32, #tpu.memory_space<vmem>>, vector<16xf32>,
            %parallel_loop3A_497 = arith.constant 96 : i32
            %parallel_loop3A_498 = arith.addi %parallel_loop3A_443, %parallel_loop3A_497 : i32
            %parallel_loop3A_499 = arith.index_cast %parallel_loop3A_498 : i32 to index
            %parallel_loop3A_500 = tpu.vector_load %arg7[%parallel_loop3A_499] {strides = array<i32>} : memref<62304xf32, #tpu.memory_space<vmem>>, vector<16xf32>,
            %parallel_loop3A_501 = arith.constant 96 : i32
            %parallel_loop3A_502 = arith.addi %parallel_loop3A_448, %parallel_loop3A_501 : i32
            %parallel_loop3A_503 = arith.index_cast %parallel_loop3A_502 : i32 to index
            %parallel_loop3A_504 = tpu.vector_load %arg8[%parallel_loop3A_503] {strides = array<i32>} : memref<61440xf32, #tpu.memory_space<vmem>>, vector<16xf32>,
            tpu.vector_store %arg8[%parallel_loop3A_503], %parallel_loop3A_500 {strides = array<i32>} : memref<61440xf32, #tpu.memory_space<vmem>>, vector<16xf32>,
          } {sc.loop_unroll_factor = 2 : i64, sc.parallel_access}
        } else {
        }
        %not3A = arith.constant true
        %not3A_430 = arith.xori %ge3A_426, %not3A : i1
        %convert_element_type3A_431 = arith.extui %not3A_430 : i1 to i32
        %cond3A_432 = arith.constant 0 : i32
        %cond3A_433 = arith.cmpi ne, %convert_element_type3A_431, %cond3A_432 : i32
        scf.if %cond3A_433 {
          %parallel_loop3A_434 = arith.constant 0 : i32
          %parallel_loop3A_435 = arith.constant 22 : i32
          %parallel_loop3A_436 = arith.constant 1 : i32
          scf.for %parallel_loop3A_437 = %parallel_loop3A_434 to %parallel_loop3A_435 step %parallel_loop3A_436  : i32 {
            %parallel_loop3A_438 = arith.constant 24 : i32
            %parallel_loop3A_439 = arith.muli %scan3A_419, %parallel_loop3A_438 : i32
            %parallel_loop3A_440 = arith.addi %parallel_loop3A_439, %parallel_loop3A_437 : i32
            %parallel_loop3A_441 = arith.constant 128 : i32
            %parallel_loop3A_442 = arith.muli %parallel_loop3A_440, %parallel_loop3A_441 : i32
            %parallel_loop3A_443 = arith.constant 0 : i32
            %parallel_loop3A_444 = arith.addi %parallel_loop3A_442, %parallel_loop3A_443 : i32
            %parallel_loop3A_445 = arith.index_cast %parallel_loop3A_444 : i32 to index
            %parallel_loop3A_446 = tpu.vector_load %arg8[%parallel_loop3A_445] {strides = array<i32>} : memref<61440xf32, #tpu.memory_space<vmem>>, vector<16xf32>,
            tpu.vector_store %arg8[%parallel_loop3A_445], %broadcast_in_dim3A_316 {strides = array<i32>} : memref<61440xf32, #tpu.memory_space<vmem>>, vector<16xf32>,
            %parallel_loop3A_447 = arith.constant 16 : i32
            %parallel_loop3A_448 = arith.addi %parallel_loop3A_442, %parallel_loop3A_447 : i32
            %parallel_loop3A_449 = arith.index_cast %parallel_loop3A_448 : i32 to index
            %parallel_loop3A_450 = tpu.vector_load %arg8[%parallel_loop3A_449] {strides = array<i32>} : memref<61440xf32, #tpu.memory_space<vmem>>, vector<16xf32>,
            tpu.vector_store %arg8[%parallel_loop3A_449], %broadcast_in_dim3A_316 {strides = array<i32>} : memref<61440xf32, #tpu.memory_space<vmem>>, vector<16xf32>,
            %parallel_loop3A_451 = arith.constant 32 : i32
            %parallel_loop3A_452 = arith.addi %parallel_loop3A_442, %parallel_loop3A_451 : i32
            %parallel_loop3A_453 = arith.index_cast %parallel_loop3A_452 : i32 to index
            %parallel_loop3A_454 = tpu.vector_load %arg8[%parallel_loop3A_453] {strides = array<i32>} : memref<61440xf32, #tpu.memory_space<vmem>>, vector<16xf32>,
            tpu.vector_store %arg8[%parallel_loop3A_453], %broadcast_in_dim3A_316 {strides = array<i32>} : memref<61440xf32, #tpu.memory_space<vmem>>, vector<16xf32>,
            %parallel_loop3A_455 = arith.constant 48 : i32
            %parallel_loop3A_456 = arith.addi %parallel_loop3A_442, %parallel_loop3A_455 : i32
            %parallel_loop3A_457 = arith.index_cast %parallel_loop3A_456 : i32 to index
            %parallel_loop3A_458 = tpu.vector_load %arg8[%parallel_loop3A_457] {strides = array<i32>} : memref<61440xf32, #tpu.memory_space<vmem>>, vector<16xf32>,
            tpu.vector_store %arg8[%parallel_loop3A_457], %broadcast_in_dim3A_316 {strides = array<i32>} : memref<61440xf32, #tpu.memory_space<vmem>>, vector<16xf32>,
            %parallel_loop3A_459 = arith.constant 64 : i32
            %parallel_loop3A_460 = arith.addi %parallel_loop3A_442, %parallel_loop3A_459 : i32
            %parallel_loop3A_461 = arith.index_cast %parallel_loop3A_460 : i32 to index
            %parallel_loop3A_462 = tpu.vector_load %arg8[%parallel_loop3A_461] {strides = array<i32>} : memref<61440xf32, #tpu.memory_space<vmem>>, vector<16xf32>,
            tpu.vector_store %arg8[%parallel_loop3A_461], %broadcast_in_dim3A_316 {strides = array<i32>} : memref<61440xf32, #tpu.memory_space<vmem>>, vector<16xf32>,
            %parallel_loop3A_463 = arith.constant 80 : i32
            %parallel_loop3A_464 = arith.addi %parallel_loop3A_442, %parallel_loop3A_463 : i32
            %parallel_loop3A_465 = arith.index_cast %parallel_loop3A_464 : i32 to index
            %parallel_loop3A_466 = tpu.vector_load %arg8[%parallel_loop3A_465] {strides = array<i32>} : memref<61440xf32, #tpu.memory_space<vmem>>, vector<16xf32>,
            tpu.vector_store %arg8[%parallel_loop3A_465], %broadcast_in_dim3A_316 {strides = array<i32>} : memref<61440xf32, #tpu.memory_space<vmem>>, vector<16xf32>,
            %parallel_loop3A_467 = arith.constant 96 : i32
            %parallel_loop3A_468 = arith.addi %parallel_loop3A_442, %parallel_loop3A_467 : i32
            %parallel_loop3A_469 = arith.index_cast %parallel_loop3A_468 : i32 to index
            %parallel_loop3A_470 = tpu.vector_load %arg8[%parallel_loop3A_469] {strides = array<i32>} : memref<61440xf32, #tpu.memory_space<vmem>>, vector<16xf32>,
            tpu.vector_store %arg8[%parallel_loop3A_469], %broadcast_in_dim3A_316 {strides = array<i32>} : memref<61440xf32, #tpu.memory_space<vmem>>, vector<16xf32>,
          } {sc.loop_unroll_factor = 2 : i64, sc.parallel_access}
        } else {
        }
      }
      %scan3A_387 = arith.constant 3 : i32
      %add3A_388 = arith.addi %add3A_35, %scan3A_339 : i32
      %mul3A_389 = arith.constant 61440 : i32
      %mul3A_390 = arith.muli %add3A_388, %mul3A_389 : i32
      %dma_start3A_391 = arith.constant 0 : i32
      %dma_start3A_392 = tpu.memref_slice %arg8[%dma_start3A_391] : memref<61440xf32, #tpu.memory_space<vmem>> -> memref<30720xf32, #tpu.memory_space<vmem>>
      %dma_start3A_393 = tpu.memref_slice %arg5[%mul3A_390] : memref<7864320xf32, #tpu.memory_space<hbm>> -> memref<30720xf32, #tpu.memory_space<hbm>>
      %dma_start3A_394 = tpu.memref_slice %arg5[%mul3A_390] : memref<7864320xf32, #tpu.memory_space<hbm>> -> memref<30720xf32, #tpu.memory_space<hbm>>
      %dma_start3A_395 = arith.constant 0 : i32
      %dma_start3A_396 = tpu.memref_slice %arg8[%dma_start3A_395] : memref<61440xf32, #tpu.memory_space<vmem>> -> memref<30720xf32, #tpu.memory_space<vmem>>
      tpu.enqueue_dma source(%dma_start3A_396 : memref<30720xf32, #tpu.memory_space<vmem>>) target(%dma_start3A_394 : memref<30720xf32, #tpu.memory_space<hbm>>) target_semaphore(%arg13 : memref<!tpu.dma_semaphore, #tpu.memory_space<semaphore_mem>>)
      %gt3A_397 = arith.constant 0 : i32
      %gt3A_398 = arith.cmpi sgt, %scan3A_339, %gt3A_397 : i32
      %convert_element_type3A_399 = arith.extui %gt3A_398 : i1 to i32
      %cond3A_400 = arith.constant 0 : i32
      %cond3A_401 = arith.cmpi ne, %convert_element_type3A_399, %cond3A_400 : i32
      scf.if %cond3A_401 {
        %dma_wait3A_419 = arith.constant 0 : i32
        %dma_wait3A_420 = tpu.memref_slice %arg8[%dma_wait3A_419] : memref<61440xf32, #tpu.memory_space<vmem>> -> memref<30720xf32, #tpu.memory_space<vmem>>
        %dma_wait3A_421 = arith.constant 0 : i32
        %dma_wait3A_422 = tpu.memref_slice %arg5[%dma_wait3A_421] : memref<7864320xf32, #tpu.memory_space<hbm>> -> memref<30720xf32, #tpu.memory_space<hbm>>
        %dma_wait3A_423 = arith.constant 0 : i32
        %dma_wait3A_424 = tpu.memref_slice %arg5[%dma_wait3A_423] : memref<7864320xf32, #tpu.memory_space<hbm>> -> memref<30720xf32, #tpu.memory_space<hbm>>
        %dma_wait3A_425 = arith.constant 0 : i32
        %dma_wait3A_426 = tpu.memref_slice %arg8[%dma_wait3A_425] : memref<61440xf32, #tpu.memory_space<vmem>> -> memref<30720xf32, #tpu.memory_space<vmem>>
        tpu.wait_dma2 semaphore(%arg14 : memref<!tpu.dma_semaphore, #tpu.memory_space<semaphore_mem>>) src(%dma_wait3A_426 : memref<30720xf32, #tpu.memory_space<vmem>>) dst(%dma_wait3A_424 : memref<30720xf32, #tpu.memory_space<hbm>>)
      } else {
      }
      %scan3A_402 = arith.constant 0 : i32
      %scan3A_403 = arith.constant 10 : i32
      %scan3A_404 = arith.constant 10 : i32
      %scan3A_405 = arith.addi %scan3A_403, %scan3A_404 : i32
      %scan3A_406 = arith.constant 1 : i32
      scf.for %scan3A_419 = %scan3A_403 to %scan3A_405 step %scan3A_406  : i32 {
        %sub3A_420 = arith.constant 8 : i32
        %sub3A_421 = arith.subi %scan3A_419, %sub3A_420 : i32
        %mul3A_422 = arith.constant 100 : i32
        %mul3A_423 = arith.muli %sub3A_421, %mul3A_422 : i32
        %add3A_424 = arith.addi %reduce_sum3A_361, %mul3A_423 : i32
        %mul3A_425 = arith.constant 31152 : i32
        %mul3A_426 = arith.muli %select_n3A_377, %mul3A_425 : i32
        %parallel_loop3A_427 = arith.constant 0 : i32
        %parallel_loop3A_428 = arith.constant 22 : i32
        %parallel_loop3A_429 = arith.constant 1 : i32
        scf.for %parallel_loop3A_430 = %parallel_loop3A_427 to %parallel_loop3A_428 step %parallel_loop3A_429  : i32 {
          %parallel_loop3A_431 = arith.constant 1416 : i32
          %parallel_loop3A_432 = arith.muli %parallel_loop3A_430, %parallel_loop3A_431 : i32
          %parallel_loop3A_433 = arith.addi %mul3A_426, %parallel_loop3A_432 : i32
          %parallel_loop3A_434 = arith.addi %parallel_loop3A_433, %add3A_424 : i32
          %parallel_loop3A_435 = arith.constant 24 : i32
          %parallel_loop3A_436 = arith.muli %scan3A_419, %parallel_loop3A_435 : i32
          %parallel_loop3A_437 = arith.addi %parallel_loop3A_436, %parallel_loop3A_430 : i32
          %parallel_loop3A_438 = arith.constant 128 : i32
          %parallel_loop3A_439 = arith.muli %parallel_loop3A_437, %parallel_loop3A_438 : i32
          %parallel_loop3A_440 = arith.constant 0 : i32
          %parallel_loop3A_441 = arith.addi %parallel_loop3A_434, %parallel_loop3A_440 : i32
          %parallel_loop3A_442 = arith.index_cast %parallel_loop3A_441 : i32 to index
          %parallel_loop3A_443 = tpu.vector_load %arg7[%parallel_loop3A_442] {strides = array<i32>} : memref<62304xf32, #tpu.memory_space<vmem>>, vector<16xf32>,
          %parallel_loop3A_444 = arith.constant 0 : i32
          %parallel_loop3A_445 = arith.addi %parallel_loop3A_439, %parallel_loop3A_444 : i32
          %parallel_loop3A_446 = arith.index_cast %parallel_loop3A_445 : i32 to index
          %parallel_loop3A_447 = tpu.vector_load %arg8[%parallel_loop3A_446] {strides = array<i32>} : memref<61440xf32, #tpu.memory_space<vmem>>, vector<16xf32>,
          tpu.vector_store %arg8[%parallel_loop3A_446], %parallel_loop3A_443 {strides = array<i32>} : memref<61440xf32, #tpu.memory_space<vmem>>, vector<16xf32>,
          %parallel_loop3A_448 = arith.constant 16 : i32
          %parallel_loop3A_449 = arith.addi %parallel_loop3A_434, %parallel_loop3A_448 : i32
          %parallel_loop3A_450 = arith.index_cast %parallel_loop3A_449 : i32 to index
          %parallel_loop3A_451 = tpu.vector_load %arg7[%parallel_loop3A_450] {strides = array<i32>} : memref<62304xf32, #tpu.memory_space<vmem>>, vector<16xf32>,
          %parallel_loop3A_452 = arith.constant 16 : i32
          %parallel_loop3A_453 = arith.addi %parallel_loop3A_439, %parallel_loop3A_452 : i32
          %parallel_loop3A_454 = arith.index_cast %parallel_loop3A_453 : i32 to index
          %parallel_loop3A_455 = tpu.vector_load %arg8[%parallel_loop3A_454] {strides = array<i32>} : memref<61440xf32, #tpu.memory_space<vmem>>, vector<16xf32>,
          tpu.vector_store %arg8[%parallel_loop3A_454], %parallel_loop3A_451 {strides = array<i32>} : memref<61440xf32, #tpu.memory_space<vmem>>, vector<16xf32>,
          %parallel_loop3A_456 = arith.constant 32 : i32
          %parallel_loop3A_457 = arith.addi %parallel_loop3A_434, %parallel_loop3A_456 : i32
          %parallel_loop3A_458 = arith.index_cast %parallel_loop3A_457 : i32 to index
          %parallel_loop3A_459 = tpu.vector_load %arg7[%parallel_loop3A_458] {strides = array<i32>} : memref<62304xf32, #tpu.memory_space<vmem>>, vector<16xf32>,
          %parallel_loop3A_460 = arith.constant 32 : i32
          %parallel_loop3A_461 = arith.addi %parallel_loop3A_439, %parallel_loop3A_460 : i32
          %parallel_loop3A_462 = arith.index_cast %parallel_loop3A_461 : i32 to index
          %parallel_loop3A_463 = tpu.vector_load %arg8[%parallel_loop3A_462] {strides = array<i32>} : memref<61440xf32, #tpu.memory_space<vmem>>, vector<16xf32>,
          tpu.vector_store %arg8[%parallel_loop3A_462], %parallel_loop3A_459 {strides = array<i32>} : memref<61440xf32, #tpu.memory_space<vmem>>, vector<16xf32>,
          %parallel_loop3A_464 = arith.constant 48 : i32
          %parallel_loop3A_465 = arith.addi %parallel_loop3A_434, %parallel_loop3A_464 : i32
          %parallel_loop3A_466 = arith.index_cast %parallel_loop3A_465 : i32 to index
          %parallel_loop3A_467 = tpu.vector_load %arg7[%parallel_loop3A_466] {strides = array<i32>} : memref<62304xf32, #tpu.memory_space<vmem>>, vector<16xf32>,
          %parallel_loop3A_468 = arith.constant 48 : i32
          %parallel_loop3A_469 = arith.addi %parallel_loop3A_439, %parallel_loop3A_468 : i32
          %parallel_loop3A_470 = arith.index_cast %parallel_loop3A_469 : i32 to index
          %parallel_loop3A_471 = tpu.vector_load %arg8[%parallel_loop3A_470] {strides = array<i32>} : memref<61440xf32, #tpu.memory_space<vmem>>, vector<16xf32>,
          tpu.vector_store %arg8[%parallel_loop3A_470], %parallel_loop3A_467 {strides = array<i32>} : memref<61440xf32, #tpu.memory_space<vmem>>, vector<16xf32>,
          %parallel_loop3A_472 = arith.constant 64 : i32
          %parallel_loop3A_473 = arith.addi %parallel_loop3A_434, %parallel_loop3A_472 : i32
          %parallel_loop3A_474 = arith.index_cast %parallel_loop3A_473 : i32 to index
          %parallel_loop3A_475 = tpu.vector_load %arg7[%parallel_loop3A_474] {strides = array<i32>} : memref<62304xf32, #tpu.memory_space<vmem>>, vector<16xf32>,
          %parallel_loop3A_476 = arith.constant 64 : i32
          %parallel_loop3A_477 = arith.addi %parallel_loop3A_439, %parallel_loop3A_476 : i32
          %parallel_loop3A_478 = arith.index_cast %parallel_loop3A_477 : i32 to index
          %parallel_loop3A_479 = tpu.vector_load %arg8[%parallel_loop3A_478] {strides = array<i32>} : memref<61440xf32, #tpu.memory_space<vmem>>, vector<16xf32>,
          tpu.vector_store %arg8[%parallel_loop3A_478], %parallel_loop3A_475 {strides = array<i32>} : memref<61440xf32, #tpu.memory_space<vmem>>, vector<16xf32>,
          %parallel_loop3A_480 = arith.constant 80 : i32
          %parallel_loop3A_481 = arith.addi %parallel_loop3A_434, %parallel_loop3A_480 : i32
          %parallel_loop3A_482 = arith.index_cast %parallel_loop3A_481 : i32 to index
          %parallel_loop3A_483 = tpu.vector_load %arg7[%parallel_loop3A_482] {strides = array<i32>} : memref<62304xf32, #tpu.memory_space<vmem>>, vector<16xf32>,
          %parallel_loop3A_484 = arith.constant 80 : i32
          %parallel_loop3A_485 = arith.addi %parallel_loop3A_439, %parallel_loop3A_484 : i32
          %parallel_loop3A_486 = arith.index_cast %parallel_loop3A_485 : i32 to index
          %parallel_loop3A_487 = tpu.vector_load %arg8[%parallel_loop3A_486] {strides = array<i32>} : memref<61440xf32, #tpu.memory_space<vmem>>, vector<16xf32>,
          tpu.vector_store %arg8[%parallel_loop3A_486], %parallel_loop3A_483 {strides = array<i32>} : memref<61440xf32, #tpu.memory_space<vmem>>, vector<16xf32>,
          %parallel_loop3A_488 = arith.constant 96 : i32
          %parallel_loop3A_489 = arith.addi %parallel_loop3A_434, %parallel_loop3A_488 : i32
          %parallel_loop3A_490 = arith.index_cast %parallel_loop3A_489 : i32 to index
          %parallel_loop3A_491 = tpu.vector_load %arg7[%parallel_loop3A_490] {strides = array<i32>} : memref<62304xf32, #tpu.memory_space<vmem>>, vector<16xf32>,
          %parallel_loop3A_492 = arith.constant 96 : i32
          %parallel_loop3A_493 = arith.addi %parallel_loop3A_439, %parallel_loop3A_492 : i32
          %parallel_loop3A_494 = arith.index_cast %parallel_loop3A_493 : i32 to index
          %parallel_loop3A_495 = tpu.vector_load %arg8[%parallel_loop3A_494] {strides = array<i32>} : memref<61440xf32, #tpu.memory_space<vmem>>, vector<16xf32>,
          tpu.vector_store %arg8[%parallel_loop3A_494], %parallel_loop3A_491 {strides = array<i32>} : memref<61440xf32, #tpu.memory_space<vmem>>, vector<16xf32>,
        } {sc.loop_unroll_factor = 2 : i64, sc.parallel_access}
      }
      %scan3A_407 = arith.constant 10 : i32
      %add3A_408 = arith.addi %add3A_35, %scan3A_339 : i32
      %mul3A_409 = arith.constant 61440 : i32
      %mul3A_410 = arith.muli %add3A_408, %mul3A_409 : i32
      %add3A_411 = arith.constant 30720 : i32
      %add3A_412 = arith.addi %mul3A_410, %add3A_411 : i32
      %dma_start3A_413 = arith.constant 30720 : i32
      %dma_start3A_414 = tpu.memref_slice %arg8[%dma_start3A_413] : memref<61440xf32, #tpu.memory_space<vmem>> -> memref<30720xf32, #tpu.memory_space<vmem>>
      %dma_start3A_415 = tpu.memref_slice %arg5[%add3A_412] : memref<7864320xf32, #tpu.memory_space<hbm>> -> memref<30720xf32, #tpu.memory_space<hbm>>
      %dma_start3A_416 = tpu.memref_slice %arg5[%add3A_412] : memref<7864320xf32, #tpu.memory_space<hbm>> -> memref<30720xf32, #tpu.memory_space<hbm>>
      %dma_start3A_417 = arith.constant 30720 : i32
      %dma_start3A_418 = tpu.memref_slice %arg8[%dma_start3A_417] : memref<61440xf32, #tpu.memory_space<vmem>> -> memref<30720xf32, #tpu.memory_space<vmem>>
      tpu.enqueue_dma source(%dma_start3A_418 : memref<30720xf32, #tpu.memory_space<vmem>>) target(%dma_start3A_416 : memref<30720xf32, #tpu.memory_space<hbm>>) target_semaphore(%arg14 : memref<!tpu.dma_semaphore, #tpu.memory_space<semaphore_mem>>)
    }
    %scan3A_323 = arith.constant 4 : i32
    %dma_wait3A = arith.constant 0 : i32
    %dma_wait3A_324 = tpu.memref_slice %arg8[%dma_wait3A] : memref<61440xf32, #tpu.memory_space<vmem>> -> memref<30720xf32, #tpu.memory_space<vmem>>
    %dma_wait3A_325 = arith.constant 0 : i32
    %dma_wait3A_326 = tpu.memref_slice %arg5[%dma_wait3A_325] : memref<7864320xf32, #tpu.memory_space<hbm>> -> memref<30720xf32, #tpu.memory_space<hbm>>
    %dma_wait3A_327 = arith.constant 0 : i32
    %dma_wait3A_328 = tpu.memref_slice %arg5[%dma_wait3A_327] : memref<7864320xf32, #tpu.memory_space<hbm>> -> memref<30720xf32, #tpu.memory_space<hbm>>
    %dma_wait3A_329 = arith.constant 0 : i32
    %dma_wait3A_330 = tpu.memref_slice %arg8[%dma_wait3A_329] : memref<61440xf32, #tpu.memory_space<vmem>> -> memref<30720xf32, #tpu.memory_space<vmem>>
    tpu.wait_dma2 semaphore(%arg13 : memref<!tpu.dma_semaphore, #tpu.memory_space<semaphore_mem>>) src(%dma_wait3A_330 : memref<30720xf32, #tpu.memory_space<vmem>>) dst(%dma_wait3A_328 : memref<30720xf32, #tpu.memory_space<hbm>>)
    %dma_wait3A_331 = arith.constant 0 : i32
    %dma_wait3A_332 = tpu.memref_slice %arg8[%dma_wait3A_331] : memref<61440xf32, #tpu.memory_space<vmem>> -> memref<30720xf32, #tpu.memory_space<vmem>>
    %dma_wait3A_333 = arith.constant 0 : i32
    %dma_wait3A_334 = tpu.memref_slice %arg5[%dma_wait3A_333] : memref<7864320xf32, #tpu.memory_space<hbm>> -> memref<30720xf32, #tpu.memory_space<hbm>>
    %dma_wait3A_335 = arith.constant 0 : i32
    %dma_wait3A_336 = tpu.memref_slice %arg5[%dma_wait3A_335] : memref<7864320xf32, #tpu.memory_space<hbm>> -> memref<30720xf32, #tpu.memory_space<hbm>>
    %dma_wait3A_337 = arith.constant 0 : i32
    %dma_wait3A_338 = tpu.memref_slice %arg8[%dma_wait3A_337] : memref<61440xf32, #tpu.memory_space<vmem>> -> memref<30720xf32, #tpu.memory_space<vmem>>
    tpu.wait_dma2 semaphore(%arg14 : memref<!tpu.dma_semaphore, #tpu.memory_space<semaphore_mem>>) src(%dma_wait3A_338 : memref<30720xf32, #tpu.memory_space<vmem>>) dst(%dma_wait3A_336 : memref<30720xf32, #tpu.memory_space<hbm>>)
    return
  }
}

</mosaic_0001>

<sc_bundles>
// kernel: kernel.3.cloned.1.call-start
scs
__scs_entry_jumppad:
0x0: {  	(pc) =	sbr.rel $0x88, $3  }
0x1: {  	(tag) =	ssettag $0x0;
	lr =	simm.s32 $0x1  }
0x2: {  	[smem:$0x3F9E] =	sst lr;
	_ =	strace $0xD0000000  }
0x3: {  	_ = 	snop  }
0x4: {  	_ = 	snop  }
0x5: {  	_ = 	snop  }
0x6: {  	_ = 	snop  }
0x7: {  	_ = 	snop  }
__scs_overlays_trampoline_lowered:
0x8: {  	[smem:$0x3FAD] =	sst s0  }
0x9: {  	[smem:$0x3FAE] =	sst s1  }
0xa: {  	[smem:$0x3FAF] =	sst s2  }
0xb: {  	[smem:$0x3FB0] =	sst s3  }
0xc: {  	[smem:$0x3FB1] =	sst s4  }
0xd: {  	[smem:$0x3FB2] =	sst s5  }
0xe: {  	[smem:$0x3FB3] =	sst s6  }
0xf: {  	[smem:$0x3FB4] =	sst s7  }
0x10: {  	[smem:$0x3FB5] =	sst s8  }
0x11: {  	[smem:$0x3FB6] =	sst s9;
	s0 =	simm.s32 @!p0 $0x0  }
0x12: {  	s1 =	sld [smem:$0x3F9C];
	s0 =	simm.s32 @p0 $0x1  }
0x13: {  	[smem:$0x3FB7] =	sst s0;
	s0 =	simm.s32 @!p1 $0x0  }
0x14: {  	s2 =	sld [smem:$0x3F9B];
	s0 =	simm.s32 @p1 $0x1  }
0x15: {  	[smem:$0x3FB8] =	sst s0;
	s0 =	simm.s32 @!p2 $0x0  }
0x16: {  	s3 =	sld [smem:$0x3FDB];
	s0 =	simm.s32 @p2 $0x1  }
0x17: {  	s4 =	simm.s32 $0x1BF5;
	[smem:$0x3FBA] =	sst s0  }
0x18: {  	s0 =	sld [smem:$0x3F9D];
	_ =	swait.ge [sflag:s4], $0x0  }
0x19: {  	s7 =	sld [smem:$0x3F9E]  }
0x1a: {  	s8 =	sadd.s32 $0xFFFFE003, lr  }
0x1b: {  	s9 =	sadd.s32 $0xFFFFFEF7, lr;
	s5 =	simm.s32 $0xFFFFFFFF;
	p2 =	slt.u32 s8, $0xFFFFF086  }
0x1c: {  	p1 =	slt.u32 s9, $0xF7A;
	s5 =	simm.s32 @!p2 $0x0  }
0x1d: {  	s5 =	simm.s32 @p1 $0x1;
	p0 =	seq.s32 s7, s2  }
0x1e: {  	s7 =	smul.u32 @!p0 $0xF7A, s2;
	p2 =	seq.s32 @!p0 s5, $0x0  }
0x1f: {  	s9 =	smul.u32 $0xF7A, s1;
	s8 =	simm.s32 @!p0 $0x1BF5;
	p2 =	por !p2, p0  }
0x20: {  	[sflag:s8] =	ssyncset.s32 @!p0 $0xFFFFF086;
	s6 =	sadd.s32 @!p0 s3, s7;
	s7 =	simm.s32 @!p0 $0x108  }
0x21: {  	s3 =	sadd.s32 s3, s9;
	s6 =	sadd.s32 @!p0 $0x88, s6;
	s7 =	simm.s32 @p2 $0x1082  }
0x22: {  	[simem:s7], [sflag:s8] =	dma.local @!p0 [hbm:s6], $0xF7A  }
0x23: {  	s9 =	sor.u32 $0xD0000000, s2;
	s6 =	simm.s32 $0x108;
	_ =	swait.ge @!p0 [sflag:s8], $0x0  }
0x24: {  	s3 =	sadd.s32 $0x88, s3;
	s6 =	simm.s32 @!p1 $0x1082;
	[sflag:s4] =	ssyncset.s32 $0xFFFFF086  }
0x25: {  	[simem:s6], [sflag:s4] =	dma.local [hbm:s3], $0xF7A  }
0x26: {  	[smem:$0x3F9E] =	sst s1;
	(tag) =	ssettag s2;
	_ =	strace s9  }
0x27: {  	s1 =	sld [smem:$0x3FAE]  }
0x28: {  	s2 =	sld [smem:$0x3FAF]  }
0x29: {  	s4 =	sld [smem:$0x3FB1]  }
0x2a: {  	p0 =	seq.s32 s5, $0x0;
	s5 =	sld [smem:$0x3FB2]  }
0x2b: {  	s6 =	sld [smem:$0x3FB3]  }
0x2c: {  	s7 =	sld [smem:$0x3FB4]  }
0x2d: {  	s3 =	simm.s32 $0x108;
	s8 =	sld [smem:$0x3FB5]  }
0x2e: {  	s3 =	simm.s32 @!p0 $0x1082;
	s9 =	sld [smem:$0x3FB6]  }
0x2f: {  	lr =	sadd.s32 s0, s3;
	s0 =	sld [smem:$0x3FAD]  }
0x30: {  	s3 =	sld [smem:$0x3FB0]  }
0x31: {  	[smem:$0x3FB9] =	sst s10  }
0x32: {  	s10 =	sld [smem:$0x3FB7];
	_ =	sdelay $0x3  }
0x33: {  	p0 =	seq.s32 s10, $0x1;
	s10 =	sld [smem:$0x3FB9];
	_ =	sdelay $0x3  }
0x34: {  	[smem:$0x3FB9] =	sst s10  }
0x35: {  	s10 =	sld [smem:$0x3FB8];
	_ =	sdelay $0x3  }
0x36: {  	p1 =	seq.s32 s10, $0x1;
	s10 =	sld [smem:$0x3FB9];
	_ =	sdelay $0x3  }
0x37: {  	[smem:$0x3FB9] =	sst s10  }
0x38: {  	s10 =	sld [smem:$0x3FBA]  }
0x39: {  	_ = 	snop;
	(pc) =	sbr.ind lr, $3  }
0x3a: {  	_ = 	snop  }
0x3b: {  	_ = 	snop  }
0x3c: {  	p2 =	seq.s32 s10, $0x1;
	s10 =	sld [smem:$0x3FB9]  }
0x3d: {  	_ =	shalt  }
0x3e: {  	_ =	shalt  }
0x3f: {  	_ =	shalt  }
0x40: {  	_ =	shalt  }
0x41: {  	_ =	shalt  }
0x42: {  	_ =	shalt  }
0x43: {  	_ =	shalt  }
0x44: {  	_ =	shalt  }
0x45: {  	_ =	shalt  }
0x46: {  	_ =	shalt  }
0x47: {  	_ =	shalt  }
0x48: {  	_ =	shalt  }
0x49: {  	_ =	shalt  }
0x4a: {  	_ =	shalt  }
0x4b: {  	_ =	shalt  }
0x4c: {  	_ =	shalt  }
0x4d: {  	_ =	shalt  }
0x4e: {  	_ =	shalt  }
0x4f: {  	_ =	shalt  }
0x50: {  	_ =	shalt  }
0x51: {  	_ =	shalt  }
0x52: {  	_ =	shalt  }
0x53: {  	_ =	shalt  }
0x54: {  	_ =	shalt  }
0x55: {  	_ =	shalt  }
0x56: {  	_ =	shalt  }
0x57: {  	_ =	shalt  }
0x58: {  	_ =	shalt  }
0x59: {  	_ =	shalt  }
0x5a: {  	_ =	shalt  }
0x5b: {  	_ =	shalt  }
0x5c: {  	_ =	shalt  }
0x5d: {  	_ =	shalt  }
0x5e: {  	_ =	shalt  }
0x5f: {  	_ =	shalt  }
0x60: {  	_ =	shalt  }
0x61: {  	_ =	shalt  }
0x62: {  	_ =	shalt  }
0x63: {  	_ =	shalt  }
0x64: {  	_ =	shalt  }
0x65: {  	_ =	shalt  }
0x66: {  	_ =	shalt  }
0x67: {  	_ =	shalt  }
0x68: {  	_ =	shalt  }
0x69: {  	_ =	shalt  }
0x6a: {  	_ =	shalt  }
0x6b: {  	_ =	shalt  }
0x6c: {  	_ =	shalt  }
0x6d: {  	_ =	shalt  }
0x6e: {  	_ =	shalt  }
0x6f: {  	_ =	shalt  }
0x70: {  	_ =	shalt  }
0x71: {  	_ =	shalt  }
0x72: {  	_ =	shalt  }
0x73: {  	_ =	shalt  }
0x74: {  	_ =	shalt  }
0x75: {  	_ =	shalt  }
0x76: {  	_ =	shalt  }
0x77: {  	_ =	shalt  }
0x78: {  	_ =	shalt  }
0x79: {  	_ =	shalt  }
0x7a: {  	_ =	shalt  }
0x7b: {  	_ =	shalt  }
0x7c: {  	_ =	shalt  }
0x7d: {  	_ =	shalt  }
0x7e: {  	_ =	shalt  }
0x7f: {  	_ =	shalt  }
0x80: {  	_ =	shalt  }
0x81: {  	_ =	shalt  }
0x82: {  	_ =	shalt  }
0x83: {  	_ =	shalt  }
0x84: {  	_ =	shalt  }
0x85: {  	_ =	shalt  }
0x86: {  	_ =	shalt  }
0x87: {  	_ =	shalt  }
.Lfunc_end0:
.L_simem_size_0:
called_computation_lowered:
.L_overlay_start_0:
0x88: {  	s2 =	sld [smem:$0x3FD9]  }
0x89: {  	s3 =	sld [smem:$0x3FFE];
	_ =	sdelay $0x1  }
0x8a: {  	s1 =	srdreg.scid  }
0x8b: {  	s0 =	sand.u32 $0x1, s1  }
0x8c: {  	s14 =	sshll.u32 s0, $0xA;
	s2 =	sadd.s32 s3, s2  }
0x8d: {  	s2 =	sadd.s32 s2, s14  }
0x8e: {  	[smem:$0x3FC5] =	sst s2  }
0x8f: {  	_ = 	snop  }
0x90: {  	s2 =	sld [smem:$0x3FD0];
	_ =	sdelay $0x1  }
0x91: {  	s15 =	sld [smem:$0x3FC8]  }
0x92: {  	s5 =	simm.s32 $0xA;
	s6 =	simm.s32 $0x10;
	s4 =	sld [smem:$0x3FC7]  }
0x93: {  	[smem:s6], [sflag:s5] =	dma.local [hbm:s2], $0x1  }
0x94: {  	_ =	swait.eq [sflag:s5], $0x1  }
0x95: {  	[sflag:s5] =	ssyncset.done $0x0  }
0x96: {  	s16 =	sld [smem:$0x10];
	[sflag:s5] =	ssyncadd.s32 $0xFFFFFFFF  }
0x97: {  	s17 =	sld [smem:$0x11];
	(tm) =	ssettm $0x1  }
0x98: {  	s18 =	sld [smem:$0x3FFB];
	_ =	sdelay $0x3  }
0x99: {  	_ =	strace s18  }
0x9a: {  	s6 =	sld [smem:$0x3FFC];
	_ =	sdelay $0x3  }
0x9b: {  	_ =	strace s6  }
0x9c: {  	s6 =	sld [smem:$0x3FFD];
	_ =	sdelay $0x3  }
0x9d: {  	_ =	strace s6  }
0x9e: {  	_ =	strace $0x8FFFFFFF  }
0x9f: {  	s19 =	sld [smem:$0x3FDB];
	_ =	sdelay $0x1  }
0xa0: {  	s7 =	simm.s32 $_scs_section_size  }
0xa1: {  	s8 =	simm.s32 $_size__tile_overlayer_lowered;
	s9 =	simm.s32 $_tile_overlayer_lowered  }
0xa2: {  	s22 =	simm.s32 $0x1BFF;
	s21 =	sshll.u32 s9, $0x1;
	s6 =	sadd.s32 s7, s19  }
0xa3: {  	s10 =	simm.s32 $0x0;
	s20 =	sshll.u32 s8, $0x1;
	s8 =	sadd.s32 s21, s6  }
0xa4: {  	[timem:s10], [sflag:s22] =	dma.local [hbm:s8], s20  }
0xa5: {  	_ =	swait.ge [sflag:s22], s20  }
0xa6: {  	s7 =	ssub.s32 $0x0, s20;
	[sflag:s22] =	ssyncset.done $0x0  }
0xa7: {  	[sflag:s22] =	ssyncadd.s32 s7;
	_ =	sdelay $0x1  }
0xa8: {  	s23 =	simm.s32 $0x1B8B  }
0xa9: {  	_ =	swait.ge [sflag:s23], $0x1  }
0xaa: {  	[sflag:s23] =	ssyncset.done $0x0  }
0xab: {  	s25 =	simm.s32 $0x1B8E;
	s24 =	sld [smem:$0x3FFE];
	[sflag:s23] =	ssyncadd.s32 $0xFFFFFFFF  }
0xac: {  	s26 =	simm.s32 $execute0_lowered;
	[smem:$0x3FD2] =	sst s25  }
0xad: {  	s8 =	sshll.u32 s26, $0x1;
	_ =	strace $0x80000046;
	[dreg:$0x1] =	wrdreg $0xFFFFFFFF  }
0xae: {  	s28 =	simm.s32 $_size_execute0_lowered;
	s6 =	sadd.s32 s6, s8;
	[dreg:$0x0] =	wrdreg $0x0  }
0xaf: {  	s8 =	sshll.u32 s28, $0x1;
	[dreg:$0x2] =	wrdreg s6  }
0xb0: {  	[dreg:$0x3] =	wrdreg s8  }
0xb1: {  	[dreg:$0x4] =	wrdreg $0xC0  }
0xb2: {  	_ =	task [dreg:s10], $0x5FFFF  }
0xb3: {  	[dreg:$0x1] =	wrdreg $0xFFFFFFFF  }
0xb4: {  	[dreg:$0x0] =	wrdreg $0x60  }
0xb5: {  	[dreg:$0x2] =	wrdreg s16  }
0xb6: {  	[dreg:$0x3] =	wrdreg s15  }
0xb7: {  	[dreg:$0x4] =	wrdreg s4  }
0xb8: {  	[dreg:$0x5] =	wrdreg s24  }
0xb9: {  	[dreg:$0x6] =	wrdreg s17  }
0xba: {  	[dreg:$0x7] =	wrdreg $0x9  }
0xbb: {  	_ =	task.clear_ibuf [dreg:s10], $0x8FFFF;
	_ =	strace $0x90000046  }
0xbc: {  	s29 =	simm.s32 $0x9;
	_ =	strace $0x80000048  }
0xbd: {  	_ =	swait.ge [sflag:s29], $0x1  }
0xbe: {  	[sflag:s29] =	ssyncadd.s32 $0xFFFFFFFF  }
0xbf: {  	_ =	strace $0x90000048  }
0xc0: {  	_ =	sfence  }
0xc1: {  	s30 =	sld [smem:$0x0];
	_ =	sdelay $0x2  }
0xc2: {  	s31 =	sshll.u32 s1, $0xD;
	s1 =	sshrl.u32 s1, $0x2  }
0xc3: {  	s3 =	sand.u32 $0x4000, s31;
	s1 =	sadd.s32 s1, s30  }
0xc4: {  	s0 =	sor.u32 s3, s0;
	s1 =	sshll.u32 s1, $0x11  }
0xc5: {  	s0 =	sor.u32 s1, s0  }
0xc6: {  	s0 =	sadd.s32 $0x8F2B, s0  }
0xc7: {  	[sflag:s0] =	ssyncadd.remote.s32 $0x1  }
0xc8: {  	_ =	sfence.sel $0xFFFF  }
0xc9: {  	[dreg:$0x0] =	wrdreg $0xFFFFFFFF;
	(pc) =	sbr.abs _section_cstart, $3  }
0xca: {  	[dreg:$0x1] =	wrdreg $0xFFFFFFFF  }
0xcb: {  	_ =	task.clear_ibuf [dreg:s10], $0x2FFFF;
	_ =	strace $0x9FFFFFFF  }
0xcc: {  	(tm) =	ssettm $0x7FFFFFFF  }
0xcd: {  	_ =	shalt  }
tec
execute0_lowered:
.L_overlay_start_1:
0x0: {  	(tag) =	ssettag $0x1  }
0x1: {  	s1 =	rddreg [dreg:$0x0]  }
0x2: {  	s0 =	rddreg [dreg:$0x1]  }
0x3: {  	s4 =	stileid.u32;
	s7 =	rddreg [dreg:$0x2]  }
0x4: {  	s2 =	srdreg.scid;
	s6 =	rddreg [dreg:$0x3]  }
0x5: {  	s9 =	rddreg [dreg:$0x4];
	s16 =	simm.s32 $0x1;
	s3 =	sshll.u32 s4, $0x1  }
0x6: {  	s2 =	sand.u32 $0x1, s2;
	s4 =	sshll.u32 s4, $0x3;
	s3 =	sand.u32 $0x2, s3  }
0x7: {  	s10 =	sand.u32 $0x70, s4;
	s4 =	simm.s32 $0x0;
	s8 =	sor.u32 s2, s3  }
0x8: {  	s17 =	simm.s32 $0xF360;
	[smem:$0x7FF] =	sst s4;
	s3 =	sshll.u32 s8, $0x2  }
0x9: {  	s2 =	ssub.s32 $0x2, s2;
	s5 =	sor.u32 s10, s3;
	s10 =	sshrl.u32 s10, $0x3  }
0xa: {  	_ =	strace $0x80000047;
	s12 =	sshrl.u32 s2, $0x1;
	s0 =	sadd.s32 s0, s10  }
0xb: {  	s2 =	ssub.s32 s2, s12;
	s29 =	sadd.s32 s7, s10;
	[dreg:$0x7] =	wrdreg s0  }
0xc: {  	s11 =	smul.u32 $0xF36, s5;
	s30 =	sadd.s32 s9, s10;
	[dreg:$0x8] =	wrdreg s29  }
0xd: {  	s18 =	simm.s32 $0x16B60;
	s31 =	smax.u32 s2, $0x1;
	[dreg:$0x9] =	wrdreg s30  }
0xe: {  	s6 =	sadd.s32 $0x800, s6;
	[dreg:$0xa] =	wrdreg s31;
	s11 =	sadd.s32 s1, s11  }
0xf: {  	v0 =	vimm.s32 $0x0;
	v1 =	vimm.f32 $0.0e+00;
	v2 =	vlaneseq.u32;
	p0 =	sne.s32 s8, $0x0;
	s7 =	simm.s32 $0x0;
	[dreg:$0x6] =	wrdreg s11  }
.LBB2_1:
0x10: {  	[dreg:$0xb] =	wrdreg s7  }
0x11: {  	s0 =	rddreg [dreg:$0x6]  }
0x12: {  	[tilespmem:s4], [sflag:$0x1] =	stream.linear.gather [hbm4b:s0+s4], $0x79B0, $0x38;
	[tilespmem:$0x1E390] =	vst v63  }
0x13: {  	s28 =	rddreg [dreg:$0x7];
	s2 =	simm.s32 $0x1E360;
	s29 =	simm.s32 $0x4  }
0x14: {  	[tilespmem:s2], [sflag:$0x4] =	stream.linear.gather [hbm4b:s28+s4], $0x10, $0x38;
	[tilespmem:$0x1E390] =	vst v63  }
0x15: {  	_ =	swait.ge [sflag:s29], $0x10  }
0x16: {  	[sflag:s29] =	ssyncset.done $0x0  }
0x17: {  	s31 =	simm.s32 $0x1E370;
	s30 =	rddreg [dreg:$0x8];
	[sflag:s29] =	ssyncadd.s32 $0xFFFFFFF0  }
0x18: {  	[tilespmem:s31], [sflag:$0x4] =	stream.linear.gather [hbm4b:s30+s4], $0x10, $0x38;
	[tilespmem:$0x1E390] =	vst v63  }
0x19: {  	_ =	swait.ge [sflag:s29], $0x10  }
0x1a: {  	[sflag:s29] =	ssyncset.done $0x0  }
0x1b: {  	[sflag:s29] =	ssyncadd.s32 $0xFFFFFFF0  }
0x1c: {  	v3 =	vld [tilespmem:$0x1E360]  }
0x1d: {  	v4 =	vld [tilespmem:$0x1E370];
	_ =	sdelay $0x4  }
0x1e: {  	v3 =	vsub.f32 v3, v4  }
.Ltmp0:
0x1f: {  	_ = 	snop;
	(pc) =	sbr.rel @p0 .LBB2_3-.Ltmp0, $3  }
0x20: {  	v3 =	vmul.f32 $2.000000000e+02, v3;
	_ =	sdelay $0x1  }
0x21: {  	v3 =	vtrunc.f32 v3  }
0x22: {  	v3 =	vcvt.f32.s32 v3  }
0x23: {  	_ = 	snop  }
0x24: {  	v4 =	vadd.s32 $0xFFFFFCE0, v3;
	vm1 =	vlt.u32 v3, $0x2E7D;
	v11 =	vadd.s32 $0xFFFFFF9C, v3  }
0x25: {  	v49 =	vadd.s32 $0x64, v3;
	v52 =	vadd.s32 $0xC8, v3;
	v53 =	vadd.s32 $0x12C, v3  }
0x26: {  	v55 =	vadd.s32 $0x190, v3;
	v56 =	vadd.s32 $0x1F4, v3;
	v57 =	vadd.s32 $0x258, v3  }
0x27: {  	v58 =	vadd.s32 $0x2BC, v3;
	v60 =	vadd.s32 $0x320, v3;
	v61 =	vadd.s32 $0x3E8, v3  }
0x28: {  	v62 =	vadd.s32 $0x44C, v3;
	vm0 =	vlt.u32 v4, $0x2E7D;
	v4 =	vadd.s32 $0xFFFFFD44, v3  }
0x29: {  	v12 =	vsel vm1, $0x1, v0;
	vm10 =	vlt.u32 v4, $0x2E7D;
	v4 =	vadd.s32 $0xFFFFFDA8, v3  }
0x2a: {  	vm4 =	vlt.u32 v11, $0x2E7D;
	v5 =	vsel vm0, $0x1, v0;
	vm11 =	vlt.u32 v4, $0x2E7D  }
0x2b: {  	v6 =	vsel vm10, $0x1, v0;
	v4 =	vadd.s32 $0xFFFFFE0C, v3;
	v7 =	vsel vm11, $0x1, v0  }
0x2c: {  	vm12 =	vlt.u32 v4, $0x2E7D;
	v4 =	vadd.s32 $0xFFFFFE70, v3;
	v6 =	vadd.s32 v12, v6  }
0x2d: {  	v8 =	vsel vm12, $0x1, v0;
	vm13 =	vlt.u32 v4, $0x2E7D;
	v5 =	vadd.s32 v5, v6  }
0x2e: {  	v4 =	vadd.s32 $0xFFFFFED4, v3;
	v9 =	vsel vm13, $0x1, v0;
	v5 =	vadd.s32 v7, v5  }
0x2f: {  	vm14 =	vlt.u32 v4, $0x2E7D;
	v4 =	vadd.s32 $0xFFFFFF38, v3;
	v5 =	vadd.s32 v8, v5  }
0x30: {  	v10 =	vsel vm14, $0x1, v0;
	vm15 =	vlt.u32 v4, $0x2E7D;
	v5 =	vadd.s32 v9, v5  }
0x31: {  	vm5 =	vlt.u32 v49, $0x2E7D;
	v4 =	vsel vm15, $0x1, v0;
	v5 =	vadd.s32 v10, v5  }
0x32: {  	vm6 =	vlt.u32 v52, $0x2E7D;
	v50 =	vsel vm4, $0x1, v0;
	v4 =	vadd.s32 v4, v5  }
0x33: {  	vm7 =	vlt.u32 v53, $0x2E7D;
	v51 =	vsel vm5, $0x1, v0;
	v4 =	vadd.s32 v50, v4  }
0x34: {  	vm8 =	vlt.u32 v55, $0x2E7D;
	v54 =	vsel vm6, $0x1, v0;
	v4 =	vadd.s32 v51, v4  }
0x35: {  	vm9 =	vlt.u32 v56, $0x2E7D;
	v7 =	vsel vm7, $0x1, v0;
	v4 =	vadd.s32 v54, v4  }
0x36: {  	vm10 =	vlt.u32 v57, $0x2E7D;
	v5 =	vsel vm8, $0x1, v0;
	v4 =	vadd.s32 v7, v4  }
0x37: {  	vm11 =	vlt.u32 v58, $0x2E7D;
	v9 =	vsel vm9, $0x1, v0;
	v4 =	vadd.s32 v5, v4  }
0x38: {  	v59 =	vsel vm10, $0x1, v0;
	v6 =	vsel vm11, $0x1, v0;
	v4 =	vadd.s32 v9, v4  }
0x39: {  	vm12 =	vlt.u32 v60, $0x2E7D;
	v5 =	vadd.s32 $0x384, v3;
	v4 =	vadd.s32 v59, v4  }
0x3a: {  	v7 =	vsel vm12, $0x1, v0;
	vm13 =	vlt.u32 v5, $0x2E7D;
	v4 =	vadd.s32 v6, v4  }
0x3b: {  	vm14 =	vlt.u32 v61, $0x2E7D;
	v5 =	vsel vm13, $0x1, v0;
	v4 =	vadd.s32 v7, v4  }
0x3c: {  	v63 =	vsel vm14, $0x1, v0;
	vm15 =	vlt.u32 v62, $0x2E7D;
	v4 =	vadd.s32 v5, v4  }
0x3d: {  	v5 =	vsel vm15, $0x1, v0;
	v4 =	vadd.s32 v63, v4  }
0x3e: {  	v4 =	vadd.s32 v5, v4  }
0x3f: {  	s0 =	rddreg [dreg:$0x9];
	s2 =	simm.s32 $0x1E380;
	s31 =	simm.s32 $0x4;
	[tilespmem:$0x1E380] =	vst v4  }
0x40: {  	[hbm4b:s0+s4] =	stream.linear.scatter [tilespmem:s2], [sflag:$0x4], $0x10, $0x38;
	[tilespmem:$0x1E390] =	vst v63  }
0x41: {  	_ =	swait.ge [sflag:s31], $0x10  }
0x42: {  	[sflag:s31] =	ssyncset.done $0x0  }
0x43: {  	[sflag:s31] =	ssyncadd.s32 $0xFFFFFFF0  }
.LBB2_3:
0x44: {  	s0 =	simm.s32 $0xF380  }
0x45: {  	[tilespmem:s0+$0xFFFFFFE0] =	vst v1  }
0x46: {  	[tilespmem:s0+$0x10] =	vst v1  }
0x47: {  	s2 =	simm.s32 $0x0;
	[tilespmem:s0+$0x0] =	vst v1  }
.LBB2_4:
0x48: {  	s2 =	sadd.s32 $0x4, s2  }
0x49: {  	[tilespmem:s0+$0xFFFFFFF0] =	vst v1;
	s0 =	sadd.s32 $0x40, s0;
	p1 =	slt.u32 s2, $0x53C  }
.Ltmp1:
0x4a: {  	[tilespmem:s0+$0xFFFFFFE0] =	vst v1;
	(pc) =	sbr.rel @p1 .LBB2_4-.Ltmp1, $3  }
0x4b: {  	_ =	sdelay $0x1  }
0x4c: {  	[tilespmem:s0+$0x10] =	vst v1  }
0x4d: {  	[tilespmem:s0+$0x0] =	vst v1  }
0x4e: {  	[tilespmem:s0+$0xFFFFFFF0] =	vst v1;
	s24 =	simm.s32 $0x0  }
.LBB2_6:
0x4f: {  	s0 =	sor.u32 s3, s24  }
0x50: {  	v4 =	vmov s0  }
0x51: {  	vm0 =	veq.s32 v4, v2  }
0x52: {  	_ =	swait.ge [sflag:s16], $0x79B0;
	v4 =	vnsel vm0, $0x0, v3  }
0x53: {  	(xrf0) =	vadd.scan.msk.s32 $0xffff, v4;
	_ =	sdelay $0x5  }
0x54: {  	v4, _, _ =	vpop (xrf0)  }
0x55: {  	(v2sf) =	vpush v4, $0xF;
	_ =	sdelay $0x7  }
0x56: {  	s22 =	sadd.s32 $0x1, s24;
	p1 =	seq.s32 s24, $0x3;
	s21 =	sand.u32 $0x1, s24  }
0x57: {  	s30 =	simm.s32 $0x7;
	s0 =	sand.u32 @!p1 $0x1, s22;
	s2 =	sadd.s32 @!p1 s5, s22  }
0x58: {  	[sflag:s16] =	ssyncset.done $0x0;
	p2 =	seq.s32 @!p1 s0, $0x1;
	s0 =	smul.u32 @!p1 $0xF36, s2  }
0x59: {  	s7 =	simm.s32 @!p1 $0x0;
	s2 =	simm.s32 @!p1 $0x79B0;
	p2 =	por !p2, p1  }
0x5a: {  	[sflag:s16] =	ssyncadd.s32 $0xFFFF8650;
	s2 =	simm.s32 @p2 $0x0;
	s0 =	sadd.s32 @!p1 s1, s0  }
0x5b: {  	[tilespmem:s2], [sflag:$0x1] =	stream.linear.gather @!p1 [hbm4b:s0+s7], $0x79B0, $0x38;
	[tilespmem:$0x1E390] =	vst v63  }
0x5c: {  	p2 =	seq.s32 s21, $0x1;
	p1 =	seq.s32 s24, $0x0;
	s0 =	simm.s32 $0x79B0  }
.Ltmp2:
0x5d: {  	s0 =	simm.s32 @!p2 $0x0;
	s23 =	spop (v2sf);
	(pc) =	sbr.rel .LBB2_7-.Ltmp2, $4  }
0x5e: {  	s31 =	simm.s32 $0x14760;
	s7 =	simm.s32 @!p1 $0x2;
	s25 =	sadd.s32 s0, s23  }
0x5f: {  	s11 =	simm.s32 $0x14840;
	_ =	swait.ge @!p1 [sflag:s7], $0x7800;
	s0 =	sshll.u32 s25, $0x2  }
0x60: {  	s23 =	sadd.s32 $0xFFFFFCE0, s23;
	[sflag:s7] =	ssyncset.done @!p1 $0x0;
	s26 =	sshra.s32 s0, $0x2  }
0x61: {  	s28 =	sadd.s32 $0x524, s25;
	[sflag:s7] =	ssyncadd.s32 @!p1 $0xFFFF8800;
	s29 =	sadd.s32 $0xFFFFFF9C, s26  }
.LBB2_14:
0x62: {  	s30 =	sadd.s32 $0x1, s30  }
0x63: {  	p2 =	sne.s32 s30, $0xA  }
.Ltmp3:
0x64: {  	_ = 	snop;
	(pc) =	sbr.rel @!p2 .LBB2_15-.Ltmp3, $3  }
0x65: {  	_ =	sdelay $0x1  }
0x66: {  	s31 =	sadd.s32 $0xC00, s31  }
0x67: {  	s28 =	sadd.s32 $0x64, s28;
	s29 =	sadd.s32 $0x64, s29;
	s11 =	sadd.s32 $0xC00, s11  }
.LBB2_7:
0x68: {  	s0 =	smul.u32 $0x64, s30;
	_ =	sdelay $0x1  }
0x69: {  	s0 =	sadd.s32 s0, s23  }
0x6a: {  	p2 =	slt.s32 s0, $0x0  }
.Ltmp4:
0x6b: {  	_ = 	snop;
	(pc) =	sbr.rel @p2 .LBB2_11-.Ltmp4, $1  }
0x6c: {  	_ =	sdelay $0x3  }
0x6d: {  	v4 =	vld [tilespmem:s29+$0x588]  }
0x6e: {  	v5 =	vld [tilespmem:s29+$0x0];
	_ =	sdelay $0x2  }
0x6f: {  	s15 =	sand.u32 $0x7, s0;
	s20 =	sadd.s32 $0xFFFFFA78, s28;
	s2 =	sand.u32 $0xFFFFFFF8, s28  }
0x70: {  	s0 =	sand.u32 $0xFFFFFFF8, s20;
	s2 =	sor.u32 s15, s2;
	[tilespmem:s11+$0xFFFFFFA0] =	vst v4  }
0x71: {  	s19 =	sor.u32 s15, s0;
	[tilespmem:s11+$0xFFFFFF20] =	vst v5;
	v4 =	vld [tilespmem:s2+$0x10]  }
0x72: {  	v5 =	vld [tilespmem:s19+$0x10];
	_ =	sdelay $0x3  }
0x73: {  	[tilespmem:s11+$0xFFFFFFB0] =	vst v4  }
0x74: {  	[tilespmem:s11+$0xFFFFFF30] =	vst v5;
	v4 =	vld [tilespmem:s2+$0x20]  }
0x75: {  	s7 =	sadd.s32 $0xB10, s29;
	v5 =	vld [tilespmem:s19+$0x20]  }
0x76: {  	v6 =	vld [tilespmem:s7+$0x588]  }
0x77: {  	v7 =	vld [tilespmem:s7+$0x0];
	_ =	sdelay $0x1  }
0x78: {  	s8 =	sadd.s32 $0xB10, s28;
	[tilespmem:s11+$0xFFFFFFC0] =	vst v4  }
0x79: {  	s9 =	sadd.s32 $0xFFFFFA78, s8;
	s10 =	sand.u32 $0xFFFFFFF8, s8;
	s0 =	sadd.s32 $0x100, s11;
	[tilespmem:s11+$0xFFFFFF40] =	vst v5;
	v4 =	vld [tilespmem:s2+$0x30]  }
0x7a: {  	s9 =	sand.u32 $0xFFFFFFF8, s9;
	s10 =	sor.u32 s15, s10;
	[tilespmem:s0+$0xFFFFFFA0] =	vst v6;
	v5 =	vld [tilespmem:s19+$0x30]  }
0x7b: {  	s12 =	sor.u32 s15, s9;
	[tilespmem:s0+$0xFFFFFF20] =	vst v7;
	v6 =	vld [tilespmem:s10+$0x10]  }
0x7c: {  	v7 =	vld [tilespmem:s12+$0x10];
	_ =	sdelay $0x1  }
0x7d: {  	[tilespmem:s11+$0xFFFFFFD0] =	vst v4  }
0x7e: {  	[tilespmem:s11+$0xFFFFFF50] =	vst v5;
	v4 =	vld [tilespmem:s2+$0x40]  }
0x7f: {  	[tilespmem:s0+$0xFFFFFFB0] =	vst v6;
	v5 =	vld [tilespmem:s19+$0x40]  }
0x80: {  	[tilespmem:s0+$0xFFFFFF30] =	vst v7;
	v6 =	vld [tilespmem:s10+$0x20]  }
0x81: {  	s20 =	sadd.s32 $0xB10, s7;
	v7 =	vld [tilespmem:s12+$0x20]  }
0x82: {  	v8 =	vld [tilespmem:s20+$0x588]  }
0x83: {  	v9 =	vld [tilespmem:s20+$0x0];
	[tilespmem:s11+$0xFFFFFFE0] =	vst v4  }
0x84: {  	[tilespmem:s11+$0xFFFFFF60] =	vst v5;
	v4 =	vld [tilespmem:s2+$0x50]  }
0x85: {  	s9 =	sadd.s32 $0xB10, s8;
	[tilespmem:s0+$0xFFFFFFC0] =	vst v6;
	v5 =	vld [tilespmem:s19+$0x50]  }
0x86: {  	s14 =	sadd.s32 $0x100, s0;
	s21 =	sadd.s32 $0xFFFFFA78, s9;
	s8 =	sand.u32 $0xFFFFFFF8, s9;
	[tilespmem:s0+$0xFFFFFF40] =	vst v7;
	v6 =	vld [tilespmem:s10+$0x30]  }
0x87: {  	s13 =	sand.u32 $0xFFFFFFF8, s21;
	s7 =	sor.u32 s15, s8;
	[tilespmem:s14+$0xFFFFFFA0] =	vst v8;
	v7 =	vld [tilespmem:s12+$0x30]  }
0x88: {  	s8 =	sor.u32 s15, s13;
	[tilespmem:s14+$0xFFFFFF20] =	vst v9;
	v8 =	vld [tilespmem:s7+$0x10]  }
0x89: {  	v9 =	vld [tilespmem:s8+$0x10];
	[tilespmem:s11+$0xFFFFFFF0] =	vst v4  }
0x8a: {  	[tilespmem:s11+$0xFFFFFF70] =	vst v5;
	v10 =	vld [tilespmem:s2+$0x60]  }
0x8b: {  	[tilespmem:s0+$0xFFFFFFD0] =	vst v6;
	v4 =	vld [tilespmem:s19+$0x60]  }
0x8c: {  	[tilespmem:s0+$0xFFFFFF50] =	vst v7;
	v5 =	vld [tilespmem:s10+$0x40]  }
0x8d: {  	[tilespmem:s14+$0xFFFFFFB0] =	vst v8;
	v6 =	vld [tilespmem:s12+$0x40]  }
0x8e: {  	[tilespmem:s14+$0xFFFFFF30] =	vst v9;
	v8 =	vld [tilespmem:s7+$0x20]  }
0x8f: {  	s20 =	sadd.s32 $0xB10, s20;
	v7 =	vld [tilespmem:s8+$0x20];
	s19 =	simm.s32 $0x4;
	s2 =	smov.u32 s11;
	[tilespmem:s11+$0x0] =	vst v10  }
.LBB2_9:
0x90: {  	v9 =	vld [tilespmem:s20+$0x588];
	s19 =	sadd.s32 $0x2, s19;
	[tilespmem:s2+$0xFFFFFF80] =	vst v4;
	s2 =	smov.u32 s0;
	s0 =	smov.u32 s14  }
0x91: {  	v4 =	vld [tilespmem:s20+$0x0];
	p2 =	slt.u32 s19, $0x14;
	[tilespmem:s2+$0xFFFFFFE0] =	vst v5  }
0x92: {  	[tilespmem:s2+$0xFFFFFF60] =	vst v6;
	v5 =	vld [tilespmem:s10+$0x50]  }
0x93: {  	s9 =	sadd.s32 $0xB10, s9;
	[tilespmem:s14+$0xFFFFFFC0] =	vst v8;
	v6 =	vld [tilespmem:s12+$0x50]  }
0x94: {  	s13 =	sadd.s32 $0xFFFFFA78, s9;
	s21 =	sand.u32 $0xFFFFFFF8, s9;
	s14 =	sadd.s32 $0x100, s14;
	[tilespmem:s0+$0xFFFFFF40] =	vst v7;
	v7 =	vld [tilespmem:s7+$0x30]  }
0x95: {  	s13 =	sand.u32 $0xFFFFFFF8, s13;
	s21 =	sor.u32 s15, s21;
	[tilespmem:s14+$0xFFFFFFA0] =	vst v9;
	v8 =	vld [tilespmem:s8+$0x30]  }
0x96: {  	s13 =	sor.u32 s15, s13;
	[tilespmem:s14+$0xFFFFFF20] =	vst v4;
	v9 =	vld [tilespmem:s21+$0x10]  }
0x97: {  	v10 =	vld [tilespmem:s13+$0x10];
	[tilespmem:s2+$0xFFFFFFF0] =	vst v5  }
0x98: {  	[tilespmem:s2+$0xFFFFFF70] =	vst v6;
	v11 =	vld [tilespmem:s10+$0x60];
	s10 =	smov.u32 s7;
	s7 =	smov.u32 s21  }
.Ltmp5:
0x99: {  	[tilespmem:s0+$0xFFFFFFD0] =	vst v7;
	v4 =	vld [tilespmem:s12+$0x60];
	s12 =	smov.u32 s8;
	s8 =	smov.u32 s13;
	(pc) =	sbr.rel @p2 .LBB2_9-.Ltmp5, $4  }
0x9a: {  	[tilespmem:s0+$0xFFFFFF50] =	vst v8;
	v5 =	vld [tilespmem:s10+$0x40]  }
0x9b: {  	[tilespmem:s14+$0xFFFFFFB0] =	vst v9;
	v6 =	vld [tilespmem:s12+$0x40]  }
0x9c: {  	[tilespmem:s14+$0xFFFFFF30] =	vst v10;
	v8 =	vld [tilespmem:s7+$0x20]  }
0x9d: {  	s20 =	sadd.s32 $0xB10, s20;
	v7 =	vld [tilespmem:s8+$0x20];
	[tilespmem:s2+$0x0] =	vst v11  }
0x9e: {  	_ =	sdelay $0x2  }
0x9f: {  	[tilespmem:s14+$0xFFFFFFC0] =	vst v8  }
0xa0: {  	[tilespmem:s14+$0xFFFFFF40] =	vst v7;
	v62 =	vld [tilespmem:s7+$0x30]  }
0xa1: {  	v63 =	vld [tilespmem:s8+$0x30];
	_ =	sdelay $0x3  }
0xa2: {  	[tilespmem:s14+$0xFFFFFFD0] =	vst v62  }
0xa3: {  	[tilespmem:s14+$0xFFFFFF50] =	vst v63;
	v7 =	vld [tilespmem:s7+$0x40]  }
0xa4: {  	v8 =	vld [tilespmem:s8+$0x40];
	_ =	sdelay $0x1  }
0xa5: {  	[tilespmem:s0+$0xFFFFFFE0] =	vst v5  }
0xa6: {  	[tilespmem:s0+$0xFFFFFF60] =	vst v6;
	v5 =	vld [tilespmem:s10+$0x50]  }
0xa7: {  	v6 =	vld [tilespmem:s12+$0x50];
	[tilespmem:s14+$0xFFFFFFE0] =	vst v7  }
0xa8: {  	[tilespmem:s14+$0xFFFFFF60] =	vst v8;
	v7 =	vld [tilespmem:s7+$0x50]  }
0xa9: {  	v8 =	vld [tilespmem:s8+$0x50];
	_ =	sdelay $0x1  }
0xaa: {  	[tilespmem:s0+$0xFFFFFFF0] =	vst v5  }
0xab: {  	[tilespmem:s0+$0xFFFFFF70] =	vst v6;
	v5 =	vld [tilespmem:s10+$0x60]  }
0xac: {  	v6 =	vld [tilespmem:s12+$0x60];
	[tilespmem:s14+$0xFFFFFFF0] =	vst v7  }
0xad: {  	[tilespmem:s14+$0xFFFFFF70] =	vst v8;
	v7 =	vld [tilespmem:s7+$0x60]  }
0xae: {  	v8 =	vld [tilespmem:s8+$0x60]  }
.Ltmp6:
0xaf: {  	[tilespmem:s2+$0xFFFFFF80] =	vst v4;
	(pc) =	sbr.rel .LBB2_14-.Ltmp6, $4  }
0xb0: {  	[tilespmem:s0+$0x0] =	vst v5  }
0xb1: {  	[tilespmem:s0+$0xFFFFFF80] =	vst v6  }
0xb2: {  	[tilespmem:s14+$0x0] =	vst v7  }
0xb3: {  	[tilespmem:s14+$0xFFFFFF80] =	vst v8  }
.LBB2_11:
0xb4: {  	[tilespmem:s31+$0x0] =	vst v1  }
0xb5: {  	[tilespmem:s31+$0xE0] =	vst v1  }
0xb6: {  	[tilespmem:s31+$0xD0] =	vst v1  }
0xb7: {  	[tilespmem:s31+$0xC0] =	vst v1  }
0xb8: {  	[tilespmem:s31+$0xB0] =	vst v1  }
0xb9: {  	[tilespmem:s31+$0xA0] =	vst v1  }
0xba: {  	[tilespmem:s31+$0x90] =	vst v1  }
0xbb: {  	[tilespmem:s31+$0x80] =	vst v1  }
0xbc: {  	[tilespmem:s31+$0x60] =	vst v1  }
0xbd: {  	[tilespmem:s31+$0x50] =	vst v1  }
0xbe: {  	[tilespmem:s31+$0x40] =	vst v1  }
0xbf: {  	[tilespmem:s31+$0x30] =	vst v1  }
0xc0: {  	s0 =	simm.s32 $0x0;
	[tilespmem:s31+$0x20] =	vst v1;
	s2 =	smov.u32 s31  }
.LBB2_12:
0xc1: {  	s0 =	sadd.s32 $0x2, s0;
	[tilespmem:s2+$0x10] =	vst v1;
	s2 =	sadd.s32 $0x100, s2  }
0xc2: {  	[tilespmem:s2+$0x0] =	vst v1;
	p2 =	slt.u32 s0, $0x14  }
0xc3: {  	[tilespmem:s2+$0xE0] =	vst v1  }
0xc4: {  	[tilespmem:s2+$0xD0] =	vst v1  }
0xc5: {  	[tilespmem:s2+$0xC0] =	vst v1  }
0xc6: {  	[tilespmem:s2+$0xB0] =	vst v1  }
0xc7: {  	[tilespmem:s2+$0xA0] =	vst v1  }
0xc8: {  	[tilespmem:s2+$0x90] =	vst v1  }
0xc9: {  	[tilespmem:s2+$0x80] =	vst v1  }
.Ltmp7:
0xca: {  	[tilespmem:s2+$0x60] =	vst v1;
	(pc) =	sbr.rel @p2 .LBB2_12-.Ltmp7, $4  }
0xcb: {  	[tilespmem:s2+$0x50] =	vst v1  }
0xcc: {  	[tilespmem:s2+$0x40] =	vst v1  }
0xcd: {  	[tilespmem:s2+$0x30] =	vst v1  }
0xce: {  	[tilespmem:s2+$0x20] =	vst v1  }
.Ltmp8:
0xcf: {  	(pc) =	sbr.rel .LBB2_14-.Ltmp8, $2  }
0xd0: {  	_ =	sdelay $0x2  }
0xd1: {  	[tilespmem:s2+$0x10] =	vst v1  }
.LBB2_15:
0xd2: {  	s0 =	sor.u32 s5, s24  }
0xd3: {  	s0 =	smul.u32 $0xF000, s0;
	_ =	sdelay $0x1  }
0xd4: {  	s0 =	sshrl.u32 s0, $0x3  }
0xd5: {  	s2 =	sadd.s32 s6, s0;
	s0 =	simm.s32 @!p1 $0x3  }
0xd6: {  	[hbm4b:s2+s4] =	stream.linear.scatter [tilespmem:s17], [sflag:$0x2], $0x7800, $0x38;
	[tilespmem:$0x1E390] =	vst v63  }
0xd7: {  	_ =	swait.ge @!p1 [sflag:s0], $0x7800  }
0xd8: {  	s24 =	sadd.s32 $0x650, s25;
	s25 =	sadd.s32 $0x650, s26;
	[sflag:s0] =	ssyncset.done @!p1 $0x0  }
0xd9: {  	s26 =	simm.s32 $0xA;
	s28 =	simm.s32 $0x16C40;
	[sflag:s0] =	ssyncadd.s32 @!p1 $0xFFFF8800  }
.LBB2_16:
0xda: {  	v4 =	vld [tilespmem:s25+$0x0]  }
0xdb: {  	v5 =	vld [tilespmem:s25+$0xFFFFFA78]  }
0xdc: {  	s0 =	sshll.u32 s26, $0x2  }
0xdd: {  	s0 =	ssub.s32 s23, s0  }
0xde: {  	s21 =	sadd.s32 $0xFFFFFA78, s24;
	s7 =	sand.u32 $0xFFFFFFF8, s24;
	s15 =	sand.u32 $0x7, s0  }
0xdf: {  	s0 =	sand.u32 $0xFFFFFFF8, s21;
	s11 =	sor.u32 s15, s7;
	[tilespmem:s28+$0xFFFFFFA0] =	vst v4  }
0xe0: {  	s13 =	sor.u32 s15, s0;
	[tilespmem:s28+$0xFFFFFF20] =	vst v5;
	v4 =	vld [tilespmem:s11+$0x10]  }
0xe1: {  	v5 =	vld [tilespmem:s13+$0x10];
	_ =	sdelay $0x3  }
0xe2: {  	[tilespmem:s28+$0xFFFFFFB0] =	vst v4  }
0xe3: {  	[tilespmem:s28+$0xFFFFFF30] =	vst v5;
	v4 =	vld [tilespmem:s11+$0x20]  }
0xe4: {  	s30 =	sadd.s32 $0xB10, s25;
	v5 =	vld [tilespmem:s13+$0x20]  }
0xe5: {  	v6 =	vld [tilespmem:s30+$0x0]  }
0xe6: {  	v7 =	vld [tilespmem:s30+$0xFFFFFA78];
	_ =	sdelay $0x1  }
0xe7: {  	s8 =	sadd.s32 $0xB10, s24;
	[tilespmem:s28+$0xFFFFFFC0] =	vst v4  }
0xe8: {  	s9 =	sadd.s32 $0xFFFFFA78, s8;
	s10 =	sand.u32 $0xFFFFFFF8, s8;
	s0 =	sadd.s32 $0x100, s28;
	[tilespmem:s28+$0xFFFFFF40] =	vst v5;
	v4 =	vld [tilespmem:s11+$0x30]  }
0xe9: {  	s9 =	sand.u32 $0xFFFFFFF8, s9;
	s10 =	sor.u32 s15, s10;
	[tilespmem:s0+$0xFFFFFFA0] =	vst v6;
	v5 =	vld [tilespmem:s13+$0x30]  }
0xea: {  	s12 =	sor.u32 s15, s9;
	[tilespmem:s0+$0xFFFFFF20] =	vst v7;
	v6 =	vld [tilespmem:s10+$0x10]  }
0xeb: {  	v7 =	vld [tilespmem:s12+$0x10];
	_ =	sdelay $0x1  }
0xec: {  	[tilespmem:s28+$0xFFFFFFD0] =	vst v4  }
0xed: {  	[tilespmem:s28+$0xFFFFFF50] =	vst v5;
	v4 =	vld [tilespmem:s11+$0x40]  }
0xee: {  	[tilespmem:s0+$0xFFFFFFB0] =	vst v6;
	v5 =	vld [tilespmem:s13+$0x40]  }
0xef: {  	[tilespmem:s0+$0xFFFFFF30] =	vst v7;
	v6 =	vld [tilespmem:s10+$0x20]  }
0xf0: {  	s19 =	sadd.s32 $0xB10, s30;
	v7 =	vld [tilespmem:s12+$0x20]  }
0xf1: {  	v8 =	vld [tilespmem:s19+$0x0]  }
0xf2: {  	v9 =	vld [tilespmem:s19+$0xFFFFFA78];
	[tilespmem:s28+$0xFFFFFFE0] =	vst v4  }
0xf3: {  	[tilespmem:s28+$0xFFFFFF60] =	vst v5;
	v4 =	vld [tilespmem:s11+$0x50]  }
0xf4: {  	s9 =	sadd.s32 $0xB10, s8;
	[tilespmem:s0+$0xFFFFFFC0] =	vst v6;
	v5 =	vld [tilespmem:s13+$0x50]  }
0xf5: {  	s31 =	sadd.s32 $0xFFFFFA78, s9;
	s8 =	sand.u32 $0xFFFFFFF8, s9;
	s29 =	sadd.s32 $0x100, s0;
	[tilespmem:s0+$0xFFFFFF40] =	vst v7;
	v6 =	vld [tilespmem:s10+$0x30]  }
0xf6: {  	s14 =	sand.u32 $0xFFFFFFF8, s31;
	s7 =	sor.u32 s15, s8;
	[tilespmem:s29+$0xFFFFFFA0] =	vst v8;
	v7 =	vld [tilespmem:s12+$0x30]  }
0xf7: {  	s8 =	sor.u32 s15, s14;
	[tilespmem:s29+$0xFFFFFF20] =	vst v9;
	v8 =	vld [tilespmem:s7+$0x10]  }
0xf8: {  	v9 =	vld [tilespmem:s8+$0x10];
	[tilespmem:s28+$0xFFFFFFF0] =	vst v4  }
0xf9: {  	[tilespmem:s28+$0xFFFFFF70] =	vst v5;
	v10 =	vld [tilespmem:s11+$0x60]  }
0xfa: {  	[tilespmem:s0+$0xFFFFFFD0] =	vst v6;
	v4 =	vld [tilespmem:s13+$0x60]  }
0xfb: {  	[tilespmem:s0+$0xFFFFFF50] =	vst v7;
	v5 =	vld [tilespmem:s10+$0x40]  }
0xfc: {  	[tilespmem:s29+$0xFFFFFFB0] =	vst v8;
	v6 =	vld [tilespmem:s12+$0x40]  }
0xfd: {  	[tilespmem:s29+$0xFFFFFF30] =	vst v9;
	v8 =	vld [tilespmem:s7+$0x20]  }
0xfe: {  	s19 =	sadd.s32 $0xB10, s19;
	s14 =	simm.s32 $0x4;
	v7 =	vld [tilespmem:s8+$0x20];
	s11 =	smov.u32 s28;
	[tilespmem:s28+$0x0] =	vst v10  }
.LBB2_17:
0xff: {  	v9 =	vld [tilespmem:s19+$0x0];
	s14 =	sadd.s32 $0x2, s14;
	[tilespmem:s11+$0xFFFFFF80] =	vst v4;
	s11 =	smov.u32 s0;
	s0 =	smov.u32 s29  }
0x100: {  	v4 =	vld [tilespmem:s19+$0xFFFFFA78];
	p1 =	slt.u32 s14, $0x14;
	[tilespmem:s11+$0xFFFFFFE0] =	vst v5  }
0x101: {  	[tilespmem:s11+$0xFFFFFF60] =	vst v6;
	v5 =	vld [tilespmem:s10+$0x50]  }
0x102: {  	s9 =	sadd.s32 $0xB10, s9;
	[tilespmem:s29+$0xFFFFFFC0] =	vst v8;
	v6 =	vld [tilespmem:s12+$0x50]  }
0x103: {  	s13 =	sadd.s32 $0xFFFFFA78, s9;
	s20 =	sand.u32 $0xFFFFFFF8, s9;
	s29 =	sadd.s32 $0x100, s29;
	[tilespmem:s0+$0xFFFFFF40] =	vst v7;
	v7 =	vld [tilespmem:s7+$0x30]  }
0x104: {  	s13 =	sand.u32 $0xFFFFFFF8, s13;
	s20 =	sor.u32 s15, s20;
	[tilespmem:s29+$0xFFFFFFA0] =	vst v9;
	v8 =	vld [tilespmem:s8+$0x30]  }
0x105: {  	s13 =	sor.u32 s15, s13;
	[tilespmem:s29+$0xFFFFFF20] =	vst v4;
	v9 =	vld [tilespmem:s20+$0x10]  }
0x106: {  	v10 =	vld [tilespmem:s13+$0x10];
	[tilespmem:s11+$0xFFFFFFF0] =	vst v5  }
0x107: {  	[tilespmem:s11+$0xFFFFFF70] =	vst v6;
	v11 =	vld [tilespmem:s10+$0x60];
	s10 =	smov.u32 s7;
	s7 =	smov.u32 s20  }
.Ltmp9:
0x108: {  	[tilespmem:s0+$0xFFFFFFD0] =	vst v7;
	v4 =	vld [tilespmem:s12+$0x60];
	s12 =	smov.u32 s8;
	s8 =	smov.u32 s13;
	(pc) =	sbr.rel @p1 .LBB2_17-.Ltmp9, $4  }
0x109: {  	[tilespmem:s0+$0xFFFFFF50] =	vst v8;
	v5 =	vld [tilespmem:s10+$0x40]  }
0x10a: {  	[tilespmem:s29+$0xFFFFFFB0] =	vst v9;
	v6 =	vld [tilespmem:s12+$0x40]  }
0x10b: {  	[tilespmem:s29+$0xFFFFFF30] =	vst v10;
	v8 =	vld [tilespmem:s7+$0x20]  }
0x10c: {  	s19 =	sadd.s32 $0xB10, s19;
	v7 =	vld [tilespmem:s8+$0x20];
	[tilespmem:s11+$0x0] =	vst v11  }
0x10d: {  	_ =	sdelay $0x2  }
0x10e: {  	[tilespmem:s29+$0xFFFFFFC0] =	vst v8  }
0x10f: {  	[tilespmem:s29+$0xFFFFFF40] =	vst v7;
	v62 =	vld [tilespmem:s7+$0x30]  }
0x110: {  	v63 =	vld [tilespmem:s8+$0x30];
	_ =	sdelay $0x3  }
0x111: {  	[tilespmem:s29+$0xFFFFFFD0] =	vst v62  }
0x112: {  	[tilespmem:s29+$0xFFFFFF50] =	vst v63;
	v7 =	vld [tilespmem:s7+$0x40]  }
0x113: {  	v8 =	vld [tilespmem:s8+$0x40];
	_ =	sdelay $0x1  }
0x114: {  	[tilespmem:s0+$0xFFFFFFE0] =	vst v5  }
0x115: {  	[tilespmem:s0+$0xFFFFFF60] =	vst v6;
	v5 =	vld [tilespmem:s10+$0x50]  }
0x116: {  	v6 =	vld [tilespmem:s12+$0x50];
	[tilespmem:s29+$0xFFFFFFE0] =	vst v7  }
0x117: {  	[tilespmem:s29+$0xFFFFFF60] =	vst v8;
	v7 =	vld [tilespmem:s7+$0x50]  }
0x118: {  	v8 =	vld [tilespmem:s8+$0x50];
	_ =	sdelay $0x1  }
0x119: {  	[tilespmem:s0+$0xFFFFFFF0] =	vst v5  }
0x11a: {  	[tilespmem:s0+$0xFFFFFF70] =	vst v6;
	v5 =	vld [tilespmem:s10+$0x60]  }
0x11b: {  	v6 =	vld [tilespmem:s12+$0x60];
	[tilespmem:s29+$0xFFFFFFF0] =	vst v7  }
0x11c: {  	s26 =	sadd.s32 $0x1, s26;
	[tilespmem:s29+$0xFFFFFF70] =	vst v8;
	v7 =	vld [tilespmem:s7+$0x60]  }
0x11d: {  	p1 =	sne.s32 s26, $0x14;
	v8 =	vld [tilespmem:s8+$0x60]  }
.Ltmp10:
0x11e: {  	[tilespmem:s11+$0xFFFFFF80] =	vst v4;
	(pc) =	sbr.rel @p1 .LBB2_16-.Ltmp10, $4  }
0x11f: {  	[tilespmem:s0+$0x0] =	vst v5  }
0x120: {  	[tilespmem:s0+$0xFFFFFF80] =	vst v6  }
0x121: {  	[tilespmem:s29+$0x0] =	vst v7  }
0x122: {  	s24 =	sadd.s32 $0x64, s24;
	s25 =	sadd.s32 $0x64, s25;
	s28 =	sadd.s32 $0xC00, s28;
	[tilespmem:s29+$0xFFFFFF80] =	vst v8  }
0x123: {  	p1 =	sne.s32 s22, $0x4  }
.Ltmp11:
0x124: {  	_ = 	snop;
	(pc) =	sbr.rel @p1 .LBB2_6-.Ltmp11, $3  }
0x125: {  	_ =	sdelay $0x1  }
0x126: {  	s0 =	sadd.s32 $0xF00, s2;
	s24 =	smov.u32 s22  }
0x127: {  	[hbm4b:s0+s4] =	stream.linear.scatter [tilespmem:s18], [sflag:$0x3], $0x7800, $0x38;
	[tilespmem:$0x1E390] =	vst v63  }
0x128: {  	s0 =	simm.s32 $0x2  }
0x129: {  	_ =	swait.ge [sflag:s0], $0x7800  }
0x12a: {  	[sflag:s0] =	ssyncset.done $0x0  }
0x12b: {  	s2 =	simm.s32 $0x3;
	[sflag:s0] =	ssyncadd.s32 $0xFFFF8800  }
0x12c: {  	_ =	swait.ge [sflag:s2], $0x7800  }
0x12d: {  	s7 =	rddreg [dreg:$0xb]  }
0x12e: {  	s31 =	rddreg [dreg:$0xa];
	s7 =	sadd.s32 $0x1, s7  }
0x12f: {  	p1 =	sne.s32 s7, s31  }
.Ltmp12:
0x130: {  	_ = 	snop;
	(pc) =	sbr.rel @p1 .LBB2_1-.Ltmp12, $3  }
0x131: {  	_ =	sdelay $0x1  }
0x132: {  	[sflag:s2] =	ssyncset.done $0x0  }
0x133: {  	[sflag:s2] =	ssyncadd.s32 $0xFFFF8800  }
0x134: {  	_ =	sfence.sel $0x180000  }
0x135: {  	[bflag:$0x0] =	sbarrier.arrive $0xFFFF  }
0x136: {  	_ =	strace $0x90000047  }
0x137: {  	s0 =	stileid.u32;
	[bflag:$0x2] =	sbarrier.arrive $0xFFFF  }
0x138: {  	p0 =	sne.s32 s0, $0x0;
	s0 =	rddreg [dreg:$0x5]  }
0x139: {  	s0 =	sadd.s32 @!p0 $0x100000, s0  }
0x13a: {  	[sflag:s0] =	ssyncadd.tile.s32 @!p0 $0x1;
	_ =	shalt  }
.Lfunc_end2:
_tile_overlayer_lowered:
.L_overlay_start_2:
0x13b: {  	(tag) =	ssettag $0x2  }
0x13c: {  	s0 =	rddreg [dreg:$0x0];
	s2 =	stileid.u32  }
0x13d: {  	s1 =	rddreg [dreg:$0x1];
	p0 =	sne.s32 s2, $0x0  }
0x13e: {  	s3 =	rddreg [dreg:$0x2];
	[bflag:$0x3] =	sbarrier.arrive $0xFFFF;
	s2 =	simm.s32 @!p0 $0x1C04  }
0x13f: {  	[timem:s3], [sflag:s2] =	dma.local @!p0 [hbm:s0], s1  }
0x140: {  	s0 =	simm.s32 @!p0 $0x4  }
0x141: {  	_ =	swait.ge @!p0 [sflag:s0], s1  }
0x142: {  	s1 =	ssub.s32 @!p0 $0x0, s1;
	[sflag:s0] =	ssyncset.done @!p0 $0x0  }
0x143: {  	[sflag:s0] =	ssyncadd.s32 @!p0 s1  }
0x144: {  	[bflag:$0x3] =	sbarrier.arrive $0xFFFF  }
0x145: {  	_ =	shalt  }

</sc_bundles>
